<compile_context>
chip_gen: v7x
topology: tpu7x:2x2x1
jax: 0.10.2.dev20260603
libtpu: 0.0.44.dev20260713+nightly
codegen_flags: <defaults>
</compile_context>

<pallas_src>
import jax
import jax.numpy as jnp
from jax import lax
from jax.experimental import pallas as pl
from jax.experimental.pallas import tpu as pltpu
from jax.experimental.pallas import tpu_sc as plsc

NC, NS = 2, 16
NW = NC * NS


def _project(x, W1):
    N, D = x.shape
    H = W1.shape[1]
    BN = 1000

    def body(x_ref, w_ref, o_ref):
        o_ref[...] = jnp.dot(x_ref[...], w_ref[...],
                             preferred_element_type=jnp.float32)

    return pl.pallas_call(
        body,
        grid=(N // BN,),
        in_specs=[pl.BlockSpec((BN, D), lambda i: (i, 0)),
                  pl.BlockSpec((D, H), lambda i: (0, 0))],
        out_specs=pl.BlockSpec((BN, H), lambda i: (i, 0)),
        out_shape=jax.ShapeDtypeStruct((N, H), jnp.float32),
    )(x, W1)


def _sc_aggregate(ei4, y, z_agg, z_deg, ones):
    NP = z_agg.shape[0]
    H = y.shape[1]
    _, _, NB, B = ei4.shape
    DW = z_deg.shape[1]
    RPT = NP // NS
    mesh = plsc.VectorSubcoreMesh(core_axis_name="c", subcore_axis_name="s",
                                  num_cores=NC, num_subcores=NS)

    def body(ei_hbm, y_hbm, za_hbm, zd_hbm, ones_hbm,
             agg_hbm, deg_hbm,
             src_v, dst_v, rows0_v, rows1_v, rows2_v, rows3_v, ones_v,
             agg_sh, deg_sh,
             gsem0, gsem1, gsem2, gsem3, ssem0, ssem1, ssem2, ssem3):
        cid = lax.axis_index("c")
        sid = lax.axis_index("s")
        wid = cid * NS + sid
        r0 = sid * RPT
        pltpu.sync_copy(za_hbm.at[pl.ds(r0, RPT)], agg_sh.at[pl.ds(r0, RPT)])
        pltpu.sync_copy(zd_hbm.at[pl.ds(r0, RPT)], deg_sh.at[pl.ds(r0, RPT)])
        pltpu.sync_copy(ei_hbm.at[0, wid], src_v)
        pltpu.sync_copy(ei_hbm.at[1, wid], dst_v)
        pltpu.sync_copy(ones_hbm, ones_v)
        plsc.subcore_barrier()

        rows = (rows0_v, rows1_v, rows2_v, rows3_v)
        gsems = (gsem0, gsem1, gsem2, gsem3)
        ssems = (ssem0, ssem1, ssem2, ssem3)
        pltpu.async_copy(y_hbm.at[dst_v.at[0]], rows0_v, gsem0)
        pltpu.async_copy(y_hbm.at[dst_v.at[1]], rows1_v, gsem1)

        def half(j, u):
            b = u % 4
            b2 = (u + 2) % 4
            pltpu.make_async_copy(y_hbm.at[dst_v.at[j]], rows[b],
                                  gsems[b]).wait()
            pltpu.async_copy(rows[b], agg_sh.at[src_v.at[j]], ssems[b],
                             add=True)
            pltpu.sync_copy(ones_v, deg_sh.at[src_v.at[j]], add=True)

            @pl.when(j >= 2)
            def _():
                pltpu.make_async_copy(rows[b2], agg_sh.at[src_v.at[j]],
                                      ssems[b2]).wait()

            @pl.when(j + 2 < NB)
            def _():
                pltpu.async_copy(y_hbm.at[dst_v.at[j + 2]], rows[b2],
                                 gsems[b2])

        def step(i, carry):
            for u in range(4):
                half(4 * i + u, u)
            return carry

        lax.fori_loop(0, NB // 4, step, 0)
        pltpu.make_async_copy(rows[(NB - 2) % 4],
                              agg_sh.at[src_v.at[NB - 2]],
                              ssems[(NB - 2) % 4]).wait()
        pltpu.make_async_copy(rows[(NB - 1) % 4],
                              agg_sh.at[src_v.at[NB - 1]],
                              ssems[(NB - 1) % 4]).wait()
        plsc.subcore_barrier()
        pltpu.sync_copy(agg_sh.at[pl.ds(r0, RPT)],
                        agg_hbm.at[cid, pl.ds(r0, RPT)])
        pltpu.sync_copy(deg_sh.at[pl.ds(r0, RPT)],
                        deg_hbm.at[cid, pl.ds(r0, RPT)])

    f = pl.kernel(
        body,
        out_type=(jax.ShapeDtypeStruct((NC, NP, H), jnp.float32),
                  jax.ShapeDtypeStruct((NC, NP, DW), jnp.float32)),
        mesh=mesh,
        scratch_types=[
            pltpu.VMEM((NB, B), jnp.int32),
            pltpu.VMEM((NB, B), jnp.int32),
            pltpu.VMEM((B, H), jnp.float32),
            pltpu.VMEM((B, H), jnp.float32),
            pltpu.VMEM((B, H), jnp.float32),
            pltpu.VMEM((B, H), jnp.float32),
            pltpu.VMEM((B, DW), jnp.float32),
            pltpu.VMEM_SHARED((NP, H), jnp.float32),
            pltpu.VMEM_SHARED((NP, DW), jnp.float32),
            pltpu.SemaphoreType.DMA,
            pltpu.SemaphoreType.DMA,
            pltpu.SemaphoreType.DMA,
            pltpu.SemaphoreType.DMA,
            pltpu.SemaphoreType.DMA,
            pltpu.SemaphoreType.DMA,
            pltpu.SemaphoreType.DMA,
            pltpu.SemaphoreType.DMA,
        ],
        compiler_params=pltpu.CompilerParams(use_tc_tiling_on_sc=False),
    )
    return f(ei4, y, z_agg, z_deg, ones)


def _epilogue(y, agg, deg, b1, W2, b2, W3, b3):
    N, H = y.shape
    BN = 2000
    G = N // BN

    def body(y_ref, agg_ref, deg_ref, b1_ref, W2_ref, b2_ref, W3_ref, b3_ref,
             o_ref, acc_ref):
        i = pl.program_id(0)

        @pl.when(i == 0)
        def _():
            acc_ref[...] = jnp.zeros_like(acc_ref)

        a = agg_ref[0] + agg_ref[1]
        d = jnp.maximum(deg_ref[0, :, 0:1] + deg_ref[1, :, 0:1], 1.0)
        h = jnp.maximum(y_ref[...] + a * (1.0 / d) + b1_ref[...], 0.0)
        h = jnp.maximum(
            jnp.dot(h, W2_ref[...], preferred_element_type=jnp.float32)
            + b2_ref[...], 0.0)
        acc_ref[...] += jnp.sum(h, axis=0, keepdims=True)

        @pl.when(i == G - 1)
        def _():
            m = acc_ref[...] / N
            o_ref[...] = jnp.tanh(
                jnp.dot(m, W3_ref[...], preferred_element_type=jnp.float32)
                + b3_ref[...])

    return pl.pallas_call(
        body,
        grid=(G,),
        in_specs=[
            pl.BlockSpec((BN, H), lambda i: (i, 0)),
            pl.BlockSpec((2, BN, H), lambda i: (0, i, 0)),
            pl.BlockSpec((2, BN, 16), lambda i: (0, i, 0)),
            pl.BlockSpec(b1.shape, lambda i: (0,)),
            pl.BlockSpec(W2.shape, lambda i: (0, 0)),
            pl.BlockSpec(b2.shape, lambda i: (0,)),
            pl.BlockSpec(W3.shape, lambda i: (0, 0)),
            pl.BlockSpec(b3.shape, lambda i: (0,)),
        ],
        out_specs=pl.BlockSpec((1, 1), lambda i: (0, 0)),
        out_shape=jax.ShapeDtypeStruct((1, 1), jnp.float32),
        scratch_shapes=[pltpu.VMEM((1, H), jnp.float32)],
    )(y, agg, deg, b1, W2, b2, W3, b3)


def kernel(x, edge_index, W1, b1, W2, b2, W3, b3):
    N, D = x.shape
    H = W1.shape[1]
    E = edge_index.shape[1]
    EPW = E // NW
    B = 125
    NB = EPW // B
    ei4 = edge_index.reshape(2, NW, NB, B)
    y = _project(x, W1)
    NP_ = ((N + 8 * NS - 1) // (8 * NS)) * (8 * NS)
    z_agg = jnp.zeros((NP_, H), jnp.float32)
    z_deg = jnp.zeros((NP_, 16), jnp.float32)
    ones = jnp.ones((B, 16), jnp.float32)
    agg, deg = _sc_aggregate(ei4, y, z_agg, z_deg, ones)
    out = _epilogue(y, agg, deg, b1, W2, b2, W3, b3)
    return out[0, 0]

# --- scband reference (transcript-rebuilt; emitter-appended) ---
"""Pipeline reference for scband-simple-gnn-1279900254387 (READ-ONLY COPY).

The authoritative reference and input builder live on the scoring server;
editing this copy changes nothing except your own understanding.
"""

import jax, jax.numpy as jnp
import numpy as np

N = 10000
E = 320000
D = 128
H = 64

def setup_inputs(seed: int = 0) -> dict:
    key = jax.random.key(seed)
    ks = jax.random.split(key, 9)
    x = jax.random.normal(ks[0], (N, D), dtype=jnp.float32)
    edge_index = jax.random.randint(ks[1], (2, E), 0, N, dtype=jnp.int32)
    s1 = 1.0 / np.sqrt(D)
    s2 = 1.0 / np.sqrt(H)
    W1 = jax.random.uniform(ks[2], (D, H), dtype=jnp.float32, minval=-s1, maxval=s1)
    b1 = jax.random.uniform(ks[3], (H,), dtype=jnp.float32, minval=-s1, maxval=s1)
    W2 = jax.random.uniform(ks[4], (H, H), dtype=jnp.float32, minval=-s2, maxval=s2)
    b2 = jax.random.uniform(ks[5], (H,), dtype=jnp.float32, minval=-s2, maxval=s2)
    W3 = jax.random.uniform(ks[6], (H, 1), dtype=jnp.float32, minval=-s2, maxval=s2)
    b3 = jax.random.uniform(ks[7], (1,), dtype=jnp.float32, minval=-s2, maxval=s2)
    return {"x": x, "edge_index": edge_index, "W1": W1, "b1": b1, "W2": W2, "b2": b2, "W3": W3, "b3": b3}

def reference(x, edge_index, W1, b1, W2, b2, W3, b3):
    src = edge_index[0]
    dst = edge_index[1]
    deg = jnp.zeros((x.shape[0],), dtype=jnp.float32).at[src].add(jnp.ones((src.shape[0],), dtype=jnp.float32))
    deg = jnp.maximum(deg, 1.0)
    agg = jnp.zeros_like(x).at[src].add(x[dst])
    agg = agg / deg[:, None]
    h = jax.nn.relu((x + agg) @ W1 + b1)
    h = jax.nn.relu(h @ W2 + b2)
    h = jnp.mean(h, axis=0, keepdims=True)
    out = jnp.tanh(h @ W3 + b3)
    return out.squeeze()

if __name__ == "__main__":
    import jax
    _d = setup_inputs()
    print(jax.jit(kernel)(*tuple(_d.values())))

</pallas_src>

<mosaic_0001>
#map = affine_map<(d0, d1) -> (0, 0, 0, 0)>
#map1 = affine_map<(d0, d1) -> (0, 0)>
#map2 = affine_map<(d0, d1) -> (0, 0, 0)>
module attributes {stable_mosaic.version = 14 : i64} {
  func.func @body(%arg0: i32, %arg1: i32, %arg2: memref<2x32x80x125xi32, #tpu.memory_space<hbm>>, %arg3: memref<10000x64xf32, #tpu.memory_space<hbm>>, %arg4: memref<10112x64xf32, #tpu.memory_space<hbm>>, %arg5: memref<10112x16xf32, #tpu.memory_space<hbm>>, %arg6: memref<125x16xf32, #tpu.memory_space<hbm>>, %arg7: memref<2x10112x64xf32, #tpu.memory_space<hbm>>, %arg8: memref<2x10112x16xf32, #tpu.memory_space<hbm>>, %arg9: memref<80x125xi32, #tpu.memory_space<vmem>>, %arg10: memref<80x125xi32, #tpu.memory_space<vmem>>, %arg11: memref<125x64xf32, #tpu.memory_space<vmem>>, %arg12: memref<125x64xf32, #tpu.memory_space<vmem>>, %arg13: memref<125x64xf32, #tpu.memory_space<vmem>>, %arg14: memref<125x64xf32, #tpu.memory_space<vmem>>, %arg15: memref<125x16xf32, #tpu.memory_space<vmem>>, %arg16: memref<10112x64xf32, #tpu.memory_space<vmem_shared>>, %arg17: memref<10112x16xf32, #tpu.memory_space<vmem_shared>>, %arg18: memref<!tpu.dma_semaphore, #tpu.memory_space<semaphore_mem>>, %arg19: memref<!tpu.dma_semaphore, #tpu.memory_space<semaphore_mem>>, %arg20: memref<!tpu.dma_semaphore, #tpu.memory_space<semaphore_mem>>, %arg21: memref<!tpu.dma_semaphore, #tpu.memory_space<semaphore_mem>>, %arg22: memref<!tpu.dma_semaphore, #tpu.memory_space<semaphore_mem>>, %arg23: memref<!tpu.dma_semaphore, #tpu.memory_space<semaphore_mem>>, %arg24: memref<!tpu.dma_semaphore, #tpu.memory_space<semaphore_mem>>, %arg25: memref<!tpu.dma_semaphore, #tpu.memory_space<semaphore_mem>>) attributes {dimension_semantics = [#tpu.dimension_semantics<core_parallel>, #tpu.dimension_semantics<subcore_parallel>], iteration_bounds = array<i64: 2, 16>, scalar_prefetch = 0 : i64, scratch_operands = 17 : i64, tpu.core_type = #tpu.core_type<sc_vector_subcore>, window_params = [{transform_indices = #map}, {transform_indices = #map1}, {transform_indices = #map1}, {transform_indices = #map1}, {transform_indices = #map1}, {transform_indices = #map2}, {transform_indices = #map2}]} {
    %mul3A = arith.constant 16 : i32
    %mul3A_0 = arith.muli %arg0, %mul3A : i32
    %add3A = arith.addi %mul3A_0, %arg1 : i32
    %mul3A_1 = arith.constant 632 : i32
    %mul3A_2 = arith.muli %arg1, %mul3A_1 : i32
    "tpu.region"() ({
      %run_scoped3A_36 = tpu.sem_alloc : memref<!tpu.dma_semaphore, #tpu.memory_space<semaphore_mem>>
      %dma_start3A_37 = arith.constant 0 : i32
      %dma_start3A_38 = tpu.memref_slice %arg16[%mul3A_2, %dma_start3A_37] : memref<10112x64xf32, #tpu.memory_space<vmem_shared>> -> memref<632x64xf32, #tpu.memory_space<vmem_shared>>
      %dma_start3A_39 = arith.constant 0 : i32
      %dma_start3A_40 = tpu.memref_slice %arg4[%mul3A_2, %dma_start3A_39] : memref<10112x64xf32, #tpu.memory_space<hbm>> -> memref<632x64xf32, #tpu.memory_space<hbm>>
      tpu.enqueue_dma source(%dma_start3A_40 : memref<632x64xf32, #tpu.memory_space<hbm>>) target(%dma_start3A_38 : memref<632x64xf32, #tpu.memory_space<vmem_shared>>) target_semaphore(%run_scoped3A_36 : memref<!tpu.dma_semaphore, #tpu.memory_space<semaphore_mem>>)
      %dma_wait3A_41 = arith.constant 0 : i32
      %dma_wait3A_42 = tpu.memref_slice %arg16[%mul3A_2, %dma_wait3A_41] : memref<10112x64xf32, #tpu.memory_space<vmem_shared>> -> memref<632x64xf32, #tpu.memory_space<vmem_shared>>
      %dma_wait3A_43 = arith.constant 0 : i32
      %dma_wait3A_44 = tpu.memref_slice %arg4[%mul3A_2, %dma_wait3A_43] : memref<10112x64xf32, #tpu.memory_space<hbm>> -> memref<632x64xf32, #tpu.memory_space<hbm>>
      tpu.wait_dma2 semaphore(%run_scoped3A_36 : memref<!tpu.dma_semaphore, #tpu.memory_space<semaphore_mem>>) src(%dma_wait3A_44 : memref<632x64xf32, #tpu.memory_space<hbm>>) dst(%dma_wait3A_42 : memref<632x64xf32, #tpu.memory_space<vmem_shared>>)
      tpu.yield
    }) : () -> ()
    "tpu.region"() ({
      %run_scoped3A_36 = tpu.sem_alloc : memref<!tpu.dma_semaphore, #tpu.memory_space<semaphore_mem>>
      %dma_start3A_37 = arith.constant 0 : i32
      %dma_start3A_38 = tpu.memref_slice %arg17[%mul3A_2, %dma_start3A_37] : memref<10112x16xf32, #tpu.memory_space<vmem_shared>> -> memref<632x16xf32, #tpu.memory_space<vmem_shared>>
      %dma_start3A_39 = arith.constant 0 : i32
      %dma_start3A_40 = tpu.memref_slice %arg5[%mul3A_2, %dma_start3A_39] : memref<10112x16xf32, #tpu.memory_space<hbm>> -> memref<632x16xf32, #tpu.memory_space<hbm>>
      tpu.enqueue_dma source(%dma_start3A_40 : memref<632x16xf32, #tpu.memory_space<hbm>>) target(%dma_start3A_38 : memref<632x16xf32, #tpu.memory_space<vmem_shared>>) target_semaphore(%run_scoped3A_36 : memref<!tpu.dma_semaphore, #tpu.memory_space<semaphore_mem>>)
      %dma_wait3A_41 = arith.constant 0 : i32
      %dma_wait3A_42 = tpu.memref_slice %arg17[%mul3A_2, %dma_wait3A_41] : memref<10112x16xf32, #tpu.memory_space<vmem_shared>> -> memref<632x16xf32, #tpu.memory_space<vmem_shared>>
      %dma_wait3A_43 = arith.constant 0 : i32
      %dma_wait3A_44 = tpu.memref_slice %arg5[%mul3A_2, %dma_wait3A_43] : memref<10112x16xf32, #tpu.memory_space<hbm>> -> memref<632x16xf32, #tpu.memory_space<hbm>>
      tpu.wait_dma2 semaphore(%run_scoped3A_36 : memref<!tpu.dma_semaphore, #tpu.memory_space<semaphore_mem>>) src(%dma_wait3A_44 : memref<632x16xf32, #tpu.memory_space<hbm>>) dst(%dma_wait3A_42 : memref<632x16xf32, #tpu.memory_space<vmem_shared>>)
      tpu.yield
    }) : () -> ()
    %run_scoped3A = arith.constant 0 : i32
    "tpu.region"() ({
      %run_scoped3A_36 = tpu.sem_alloc : memref<!tpu.dma_semaphore, #tpu.memory_space<semaphore_mem>>
      %dma_start3A_37 = arith.constant 0 : i32
      %dma_start3A_38 = arith.constant 0 : i32
      %dma_start3A_39 = tpu.memref_slice %arg2[%run_scoped3A, %add3A, %dma_start3A_37, %dma_start3A_38] : memref<2x32x80x125xi32, #tpu.memory_space<hbm>> -> memref<1x1x80x125xi32, #tpu.memory_space<hbm>>
      %dma_start3A_40 = tpu.memref_squeeze %dma_start3A_39 : memref<1x1x80x125xi32, #tpu.memory_space<hbm>> -> memref<80x125xi32, #tpu.memory_space<hbm>>
      %dma_start3A_41 = arith.constant 0 : i32
      %dma_start3A_42 = arith.constant 0 : i32
      %dma_start3A_43 = tpu.memref_slice %arg2[%run_scoped3A, %add3A, %dma_start3A_41, %dma_start3A_42] : memref<2x32x80x125xi32, #tpu.memory_space<hbm>> -> memref<1x1x80x125xi32, #tpu.memory_space<hbm>>
      %dma_start3A_44 = tpu.memref_squeeze %dma_start3A_43 : memref<1x1x80x125xi32, #tpu.memory_space<hbm>> -> memref<80x125xi32, #tpu.memory_space<hbm>>
      tpu.enqueue_dma source(%dma_start3A_44 : memref<80x125xi32, #tpu.memory_space<hbm>>) target(%arg9 : memref<80x125xi32, #tpu.memory_space<vmem>>) target_semaphore(%run_scoped3A_36 : memref<!tpu.dma_semaphore, #tpu.memory_space<semaphore_mem>>)
      %dma_wait3A_45 = arith.constant 0 : i32
      %dma_wait3A_46 = arith.constant 0 : i32
      %dma_wait3A_47 = tpu.memref_slice %arg2[%run_scoped3A, %add3A, %dma_wait3A_45, %dma_wait3A_46] : memref<2x32x80x125xi32, #tpu.memory_space<hbm>> -> memref<1x1x80x125xi32, #tpu.memory_space<hbm>>
      %dma_wait3A_48 = tpu.memref_squeeze %dma_wait3A_47 : memref<1x1x80x125xi32, #tpu.memory_space<hbm>> -> memref<80x125xi32, #tpu.memory_space<hbm>>
      %dma_wait3A_49 = arith.constant 0 : i32
      %dma_wait3A_50 = arith.constant 0 : i32
      %dma_wait3A_51 = tpu.memref_slice %arg2[%run_scoped3A, %add3A, %dma_wait3A_49, %dma_wait3A_50] : memref<2x32x80x125xi32, #tpu.memory_space<hbm>> -> memref<1x1x80x125xi32, #tpu.memory_space<hbm>>
      %dma_wait3A_52 = tpu.memref_squeeze %dma_wait3A_51 : memref<1x1x80x125xi32, #tpu.memory_space<hbm>> -> memref<80x125xi32, #tpu.memory_space<hbm>>
      tpu.wait_dma2 semaphore(%run_scoped3A_36 : memref<!tpu.dma_semaphore, #tpu.memory_space<semaphore_mem>>) src(%dma_wait3A_52 : memref<80x125xi32, #tpu.memory_space<hbm>>) dst(%arg9 : memref<80x125xi32, #tpu.memory_space<vmem>>)
      tpu.yield
    }) : () -> ()
    %run_scoped3A_3 = arith.constant 1 : i32
    "tpu.region"() ({
      %run_scoped3A_36 = tpu.sem_alloc : memref<!tpu.dma_semaphore, #tpu.memory_space<semaphore_mem>>
      %dma_start3A_37 = arith.constant 0 : i32
      %dma_start3A_38 = arith.constant 0 : i32
      %dma_start3A_39 = tpu.memref_slice %arg2[%run_scoped3A_3, %add3A, %dma_start3A_37, %dma_start3A_38] : memref<2x32x80x125xi32, #tpu.memory_space<hbm>> -> memref<1x1x80x125xi32, #tpu.memory_space<hbm>>
      %dma_start3A_40 = tpu.memref_squeeze %dma_start3A_39 : memref<1x1x80x125xi32, #tpu.memory_space<hbm>> -> memref<80x125xi32, #tpu.memory_space<hbm>>
      %dma_start3A_41 = arith.constant 0 : i32
      %dma_start3A_42 = arith.constant 0 : i32
      %dma_start3A_43 = tpu.memref_slice %arg2[%run_scoped3A_3, %add3A, %dma_start3A_41, %dma_start3A_42] : memref<2x32x80x125xi32, #tpu.memory_space<hbm>> -> memref<1x1x80x125xi32, #tpu.memory_space<hbm>>
      %dma_start3A_44 = tpu.memref_squeeze %dma_start3A_43 : memref<1x1x80x125xi32, #tpu.memory_space<hbm>> -> memref<80x125xi32, #tpu.memory_space<hbm>>
      tpu.enqueue_dma source(%dma_start3A_44 : memref<80x125xi32, #tpu.memory_space<hbm>>) target(%arg10 : memref<80x125xi32, #tpu.memory_space<vmem>>) target_semaphore(%run_scoped3A_36 : memref<!tpu.dma_semaphore, #tpu.memory_space<semaphore_mem>>)
      %dma_wait3A_45 = arith.constant 0 : i32
      %dma_wait3A_46 = arith.constant 0 : i32
      %dma_wait3A_47 = tpu.memref_slice %arg2[%run_scoped3A_3, %add3A, %dma_wait3A_45, %dma_wait3A_46] : memref<2x32x80x125xi32, #tpu.memory_space<hbm>> -> memref<1x1x80x125xi32, #tpu.memory_space<hbm>>
      %dma_wait3A_48 = tpu.memref_squeeze %dma_wait3A_47 : memref<1x1x80x125xi32, #tpu.memory_space<hbm>> -> memref<80x125xi32, #tpu.memory_space<hbm>>
      %dma_wait3A_49 = arith.constant 0 : i32
      %dma_wait3A_50 = arith.constant 0 : i32
      %dma_wait3A_51 = tpu.memref_slice %arg2[%run_scoped3A_3, %add3A, %dma_wait3A_49, %dma_wait3A_50] : memref<2x32x80x125xi32, #tpu.memory_space<hbm>> -> memref<1x1x80x125xi32, #tpu.memory_space<hbm>>
      %dma_wait3A_52 = tpu.memref_squeeze %dma_wait3A_51 : memref<1x1x80x125xi32, #tpu.memory_space<hbm>> -> memref<80x125xi32, #tpu.memory_space<hbm>>
      tpu.wait_dma2 semaphore(%run_scoped3A_36 : memref<!tpu.dma_semaphore, #tpu.memory_space<semaphore_mem>>) src(%dma_wait3A_52 : memref<80x125xi32, #tpu.memory_space<hbm>>) dst(%arg10 : memref<80x125xi32, #tpu.memory_space<vmem>>)
      tpu.yield
    }) : () -> ()
    "tpu.region"() ({
      %run_scoped3A_36 = tpu.sem_alloc : memref<!tpu.dma_semaphore, #tpu.memory_space<semaphore_mem>>
      tpu.enqueue_dma source(%arg6 : memref<125x16xf32, #tpu.memory_space<hbm>>) target(%arg15 : memref<125x16xf32, #tpu.memory_space<vmem>>) target_semaphore(%run_scoped3A_36 : memref<!tpu.dma_semaphore, #tpu.memory_space<semaphore_mem>>)
      tpu.wait_dma2 semaphore(%run_scoped3A_36 : memref<!tpu.dma_semaphore, #tpu.memory_space<semaphore_mem>>) src(%arg6 : memref<125x16xf32, #tpu.memory_space<hbm>>) dst(%arg15 : memref<125x16xf32, #tpu.memory_space<vmem>>)
      tpu.yield
    }) : () -> ()
    %barrier3A = arith.constant 0 : index
    tpu.barrier barrier_id(%barrier3A)
    %dma_start3A = arith.constant 0 : i32
    %dma_start3A_4 = arith.constant 0 : i32
    %dma_start3A_5 = tpu.memref_slice %arg10[%dma_start3A, %dma_start3A_4] : memref<80x125xi32, #tpu.memory_space<vmem>> -> memref<1x125xi32, #tpu.memory_space<vmem>>
    %dma_start3A_6 = tpu.memref_squeeze %dma_start3A_5 : memref<1x125xi32, #tpu.memory_space<vmem>> -> memref<125xi32, #tpu.memory_space<vmem>>
    %dma_start3A_7 = arith.constant 0 : i32
    %dma_start3A_8 = arith.constant 0 : i32
    %dma_start3A_9 = tpu.memref_slice %arg3[%dma_start3A_7, %dma_start3A_8] : memref<10000x64xf32, #tpu.memory_space<hbm>> -> memref<10000x64xf32, #tpu.memory_space<hbm>>
    tpu.enqueue_indirect_dma source(%dma_start3A_9 : memref<10000x64xf32, #tpu.memory_space<hbm>>) target(%arg11 : memref<125x64xf32, #tpu.memory_space<vmem>>) offsets(%dma_start3A_6 : memref<125xi32, #tpu.memory_space<vmem>>) semaphore(%arg18 : memref<!tpu.dma_semaphore, #tpu.memory_space<semaphore_mem>>)
    %dma_start3A_10 = arith.constant 1 : i32
    %dma_start3A_11 = arith.constant 0 : i32
    %dma_start3A_12 = tpu.memref_slice %arg10[%dma_start3A_10, %dma_start3A_11] : memref<80x125xi32, #tpu.memory_space<vmem>> -> memref<1x125xi32, #tpu.memory_space<vmem>>
    %dma_start3A_13 = tpu.memref_squeeze %dma_start3A_12 : memref<1x125xi32, #tpu.memory_space<vmem>> -> memref<125xi32, #tpu.memory_space<vmem>>
    %dma_start3A_14 = arith.constant 0 : i32
    %dma_start3A_15 = arith.constant 0 : i32
    %dma_start3A_16 = tpu.memref_slice %arg3[%dma_start3A_14, %dma_start3A_15] : memref<10000x64xf32, #tpu.memory_space<hbm>> -> memref<10000x64xf32, #tpu.memory_space<hbm>>
    tpu.enqueue_indirect_dma source(%dma_start3A_16 : memref<10000x64xf32, #tpu.memory_space<hbm>>) target(%arg12 : memref<125x64xf32, #tpu.memory_space<vmem>>) offsets(%dma_start3A_13 : memref<125xi32, #tpu.memory_space<vmem>>) semaphore(%arg19 : memref<!tpu.dma_semaphore, #tpu.memory_space<semaphore_mem>>)
    %scan3A = arith.constant 0 : i32
    %scan3A_17 = arith.constant 0 : i32
    %scan3A_18 = arith.constant 20 : i32
    %scan3A_19 = arith.addi %scan3A_17, %scan3A_18 : i32
    %scan3A_20 = arith.constant 1 : i32
    scf.for %scan3A_36 = %scan3A_17 to %scan3A_19 step %scan3A_20  : i32 {
      %mul3A_37 = arith.constant 4 : i32
      %mul3A_38 = arith.muli %mul3A_37, %scan3A_36 : i32
      %add3A_39 = arith.constant 0 : i32
      %add3A_40 = arith.addi %mul3A_38, %add3A_39 : i32
      %dma_wait3A_41 = arith.constant 0 : i32
      %dma_wait3A_42 = tpu.memref_slice %arg10[%add3A_40, %dma_wait3A_41] : memref<80x125xi32, #tpu.memory_space<vmem>> -> memref<1x125xi32, #tpu.memory_space<vmem>>
      %dma_wait3A_43 = tpu.memref_squeeze %dma_wait3A_42 : memref<1x125xi32, #tpu.memory_space<vmem>> -> memref<125xi32, #tpu.memory_space<vmem>>
      %dma_wait3A_44 = arith.constant 0 : i32
      %dma_wait3A_45 = arith.constant 0 : i32
      %dma_wait3A_46 = tpu.memref_slice %arg3[%dma_wait3A_44, %dma_wait3A_45] : memref<10000x64xf32, #tpu.memory_space<hbm>> -> memref<10000x64xf32, #tpu.memory_space<hbm>>
      tpu.wait_indirect_dma semaphore(%arg18 : memref<!tpu.dma_semaphore, #tpu.memory_space<semaphore_mem>>) src(%dma_wait3A_46 : memref<10000x64xf32, #tpu.memory_space<hbm>>) dst(%arg11 : memref<125x64xf32, #tpu.memory_space<vmem>>)
      %dma_start3A_47 = arith.constant 0 : i32
      %dma_start3A_48 = tpu.memref_slice %arg9[%add3A_40, %dma_start3A_47] : memref<80x125xi32, #tpu.memory_space<vmem>> -> memref<1x125xi32, #tpu.memory_space<vmem>>
      %dma_start3A_49 = tpu.memref_squeeze %dma_start3A_48 : memref<1x125xi32, #tpu.memory_space<vmem>> -> memref<125xi32, #tpu.memory_space<vmem>>
      %dma_start3A_50 = arith.constant 0 : i32
      %dma_start3A_51 = arith.constant 0 : i32
      %dma_start3A_52 = tpu.memref_slice %arg16[%dma_start3A_50, %dma_start3A_51] : memref<10112x64xf32, #tpu.memory_space<vmem_shared>> -> memref<10112x64xf32, #tpu.memory_space<vmem_shared>>
      tpu.enqueue_indirect_dma source(%arg11 : memref<125x64xf32, #tpu.memory_space<vmem>>) target(%dma_start3A_52 : memref<10112x64xf32, #tpu.memory_space<vmem_shared>>) offsets(%dma_start3A_49 : memref<125xi32, #tpu.memory_space<vmem>>) semaphore(%arg22 : memref<!tpu.dma_semaphore, #tpu.memory_space<semaphore_mem>>) {add = true}
      "tpu.region"() ({
        %run_scoped3A_145 = tpu.sem_alloc : memref<!tpu.dma_semaphore, #tpu.memory_space<semaphore_mem>>
        %dma_start3A_146 = arith.constant 0 : i32
        %dma_start3A_147 = tpu.memref_slice %arg9[%add3A_40, %dma_start3A_146] : memref<80x125xi32, #tpu.memory_space<vmem>> -> memref<1x125xi32, #tpu.memory_space<vmem>>
        %dma_start3A_148 = tpu.memref_squeeze %dma_start3A_147 : memref<1x125xi32, #tpu.memory_space<vmem>> -> memref<125xi32, #tpu.memory_space<vmem>>
        %dma_start3A_149 = arith.constant 0 : i32
        %dma_start3A_150 = arith.constant 0 : i32
        %dma_start3A_151 = tpu.memref_slice %arg17[%dma_start3A_149, %dma_start3A_150] : memref<10112x16xf32, #tpu.memory_space<vmem_shared>> -> memref<10112x16xf32, #tpu.memory_space<vmem_shared>>
        tpu.enqueue_indirect_dma source(%arg15 : memref<125x16xf32, #tpu.memory_space<vmem>>) target(%dma_start3A_151 : memref<10112x16xf32, #tpu.memory_space<vmem_shared>>) offsets(%dma_start3A_148 : memref<125xi32, #tpu.memory_space<vmem>>) semaphore(%run_scoped3A_145 : memref<!tpu.dma_semaphore, #tpu.memory_space<semaphore_mem>>) {add = true}
        %dma_wait3A_152 = arith.constant 0 : i32
        %dma_wait3A_153 = tpu.memref_slice %arg9[%add3A_40, %dma_wait3A_152] : memref<80x125xi32, #tpu.memory_space<vmem>> -> memref<1x125xi32, #tpu.memory_space<vmem>>
        %dma_wait3A_154 = tpu.memref_squeeze %dma_wait3A_153 : memref<1x125xi32, #tpu.memory_space<vmem>> -> memref<125xi32, #tpu.memory_space<vmem>>
        %dma_wait3A_155 = arith.constant 0 : i32
        %dma_wait3A_156 = arith.constant 0 : i32
        %dma_wait3A_157 = tpu.memref_slice %arg17[%dma_wait3A_155, %dma_wait3A_156] : memref<10112x16xf32, #tpu.memory_space<vmem_shared>> -> memref<10112x16xf32, #tpu.memory_space<vmem_shared>>
        tpu.wait_indirect_dma semaphore(%run_scoped3A_145 : memref<!tpu.dma_semaphore, #tpu.memory_space<semaphore_mem>>) src(%arg15 : memref<125x16xf32, #tpu.memory_space<vmem>>) dst(%dma_wait3A_157 : memref<10112x16xf32, #tpu.memory_space<vmem_shared>>)
        tpu.yield
      }) : () -> ()
      %ge3A = arith.constant 2 : i32
      %ge3A_53 = arith.cmpi sge, %add3A_40, %ge3A : i32
      %convert_element_type3A = arith.extui %ge3A_53 : i1 to i32
      %cond3A = arith.constant 0 : i32
      %cond3A_54 = arith.cmpi ne, %convert_element_type3A, %cond3A : i32
      scf.if %cond3A_54 {
        %dma_wait3A_145 = arith.constant 0 : i32
        %dma_wait3A_146 = tpu.memref_slice %arg9[%add3A_40, %dma_wait3A_145] : memref<80x125xi32, #tpu.memory_space<vmem>> -> memref<1x125xi32, #tpu.memory_space<vmem>>
        %dma_wait3A_147 = tpu.memref_squeeze %dma_wait3A_146 : memref<1x125xi32, #tpu.memory_space<vmem>> -> memref<125xi32, #tpu.memory_space<vmem>>
        %dma_wait3A_148 = arith.constant 0 : i32
        %dma_wait3A_149 = arith.constant 0 : i32
        %dma_wait3A_150 = tpu.memref_slice %arg16[%dma_wait3A_148, %dma_wait3A_149] : memref<10112x64xf32, #tpu.memory_space<vmem_shared>> -> memref<10112x64xf32, #tpu.memory_space<vmem_shared>>
        tpu.wait_indirect_dma semaphore(%arg24 : memref<!tpu.dma_semaphore, #tpu.memory_space<semaphore_mem>>) src(%arg13 : memref<125x64xf32, #tpu.memory_space<vmem>>) dst(%dma_wait3A_150 : memref<10112x64xf32, #tpu.memory_space<vmem_shared>>)
      } else {
      }
      %add3A_55 = arith.constant 2 : i32
      %add3A_56 = arith.addi %add3A_40, %add3A_55 : i32
      %lt3A = arith.constant 80 : i32
      %lt3A_57 = arith.cmpi slt, %add3A_56, %lt3A : i32
      %convert_element_type3A_58 = arith.extui %lt3A_57 : i1 to i32
      %cond3A_59 = arith.constant 0 : i32
      %cond3A_60 = arith.cmpi ne, %convert_element_type3A_58, %cond3A_59 : i32
      scf.if %cond3A_60 {
        %add3A_145 = arith.constant 2 : i32
        %add3A_146 = arith.addi %add3A_40, %add3A_145 : i32
        %dma_start3A_147 = arith.constant 0 : i32
        %dma_start3A_148 = tpu.memref_slice %arg10[%add3A_146, %dma_start3A_147] : memref<80x125xi32, #tpu.memory_space<vmem>> -> memref<1x125xi32, #tpu.memory_space<vmem>>
        %dma_start3A_149 = tpu.memref_squeeze %dma_start3A_148 : memref<1x125xi32, #tpu.memory_space<vmem>> -> memref<125xi32, #tpu.memory_space<vmem>>
        %dma_start3A_150 = arith.constant 0 : i32
        %dma_start3A_151 = arith.constant 0 : i32
        %dma_start3A_152 = tpu.memref_slice %arg3[%dma_start3A_150, %dma_start3A_151] : memref<10000x64xf32, #tpu.memory_space<hbm>> -> memref<10000x64xf32, #tpu.memory_space<hbm>>
        tpu.enqueue_indirect_dma source(%dma_start3A_152 : memref<10000x64xf32, #tpu.memory_space<hbm>>) target(%arg13 : memref<125x64xf32, #tpu.memory_space<vmem>>) offsets(%dma_start3A_149 : memref<125xi32, #tpu.memory_space<vmem>>) semaphore(%arg20 : memref<!tpu.dma_semaphore, #tpu.memory_space<semaphore_mem>>)
      } else {
      }
      %mul3A_61 = arith.constant 4 : i32
      %mul3A_62 = arith.muli %mul3A_61, %scan3A_36 : i32
      %add3A_63 = arith.constant 1 : i32
      %add3A_64 = arith.addi %mul3A_62, %add3A_63 : i32
      %dma_wait3A_65 = arith.constant 0 : i32
      %dma_wait3A_66 = tpu.memref_slice %arg10[%add3A_64, %dma_wait3A_65] : memref<80x125xi32, #tpu.memory_space<vmem>> -> memref<1x125xi32, #tpu.memory_space<vmem>>
      %dma_wait3A_67 = tpu.memref_squeeze %dma_wait3A_66 : memref<1x125xi32, #tpu.memory_space<vmem>> -> memref<125xi32, #tpu.memory_space<vmem>>
      %dma_wait3A_68 = arith.constant 0 : i32
      %dma_wait3A_69 = arith.constant 0 : i32
      %dma_wait3A_70 = tpu.memref_slice %arg3[%dma_wait3A_68, %dma_wait3A_69] : memref<10000x64xf32, #tpu.memory_space<hbm>> -> memref<10000x64xf32, #tpu.memory_space<hbm>>
      tpu.wait_indirect_dma semaphore(%arg19 : memref<!tpu.dma_semaphore, #tpu.memory_space<semaphore_mem>>) src(%dma_wait3A_70 : memref<10000x64xf32, #tpu.memory_space<hbm>>) dst(%arg12 : memref<125x64xf32, #tpu.memory_space<vmem>>)
      %dma_start3A_71 = arith.constant 0 : i32
      %dma_start3A_72 = tpu.memref_slice %arg9[%add3A_64, %dma_start3A_71] : memref<80x125xi32, #tpu.memory_space<vmem>> -> memref<1x125xi32, #tpu.memory_space<vmem>>
      %dma_start3A_73 = tpu.memref_squeeze %dma_start3A_72 : memref<1x125xi32, #tpu.memory_space<vmem>> -> memref<125xi32, #tpu.memory_space<vmem>>
      %dma_start3A_74 = arith.constant 0 : i32
      %dma_start3A_75 = arith.constant 0 : i32
      %dma_start3A_76 = tpu.memref_slice %arg16[%dma_start3A_74, %dma_start3A_75] : memref<10112x64xf32, #tpu.memory_space<vmem_shared>> -> memref<10112x64xf32, #tpu.memory_space<vmem_shared>>
      tpu.enqueue_indirect_dma source(%arg12 : memref<125x64xf32, #tpu.memory_space<vmem>>) target(%dma_start3A_76 : memref<10112x64xf32, #tpu.memory_space<vmem_shared>>) offsets(%dma_start3A_73 : memref<125xi32, #tpu.memory_space<vmem>>) semaphore(%arg23 : memref<!tpu.dma_semaphore, #tpu.memory_space<semaphore_mem>>) {add = true}
      "tpu.region"() ({
        %run_scoped3A_145 = tpu.sem_alloc : memref<!tpu.dma_semaphore, #tpu.memory_space<semaphore_mem>>
        %dma_start3A_146 = arith.constant 0 : i32
        %dma_start3A_147 = tpu.memref_slice %arg9[%add3A_64, %dma_start3A_146] : memref<80x125xi32, #tpu.memory_space<vmem>> -> memref<1x125xi32, #tpu.memory_space<vmem>>
        %dma_start3A_148 = tpu.memref_squeeze %dma_start3A_147 : memref<1x125xi32, #tpu.memory_space<vmem>> -> memref<125xi32, #tpu.memory_space<vmem>>
        %dma_start3A_149 = arith.constant 0 : i32
        %dma_start3A_150 = arith.constant 0 : i32
        %dma_start3A_151 = tpu.memref_slice %arg17[%dma_start3A_149, %dma_start3A_150] : memref<10112x16xf32, #tpu.memory_space<vmem_shared>> -> memref<10112x16xf32, #tpu.memory_space<vmem_shared>>
        tpu.enqueue_indirect_dma source(%arg15 : memref<125x16xf32, #tpu.memory_space<vmem>>) target(%dma_start3A_151 : memref<10112x16xf32, #tpu.memory_space<vmem_shared>>) offsets(%dma_start3A_148 : memref<125xi32, #tpu.memory_space<vmem>>) semaphore(%run_scoped3A_145 : memref<!tpu.dma_semaphore, #tpu.memory_space<semaphore_mem>>) {add = true}
        %dma_wait3A_152 = arith.constant 0 : i32
        %dma_wait3A_153 = tpu.memref_slice %arg9[%add3A_64, %dma_wait3A_152] : memref<80x125xi32, #tpu.memory_space<vmem>> -> memref<1x125xi32, #tpu.memory_space<vmem>>
        %dma_wait3A_154 = tpu.memref_squeeze %dma_wait3A_153 : memref<1x125xi32, #tpu.memory_space<vmem>> -> memref<125xi32, #tpu.memory_space<vmem>>
        %dma_wait3A_155 = arith.constant 0 : i32
        %dma_wait3A_156 = arith.constant 0 : i32
        %dma_wait3A_157 = tpu.memref_slice %arg17[%dma_wait3A_155, %dma_wait3A_156] : memref<10112x16xf32, #tpu.memory_space<vmem_shared>> -> memref<10112x16xf32, #tpu.memory_space<vmem_shared>>
        tpu.wait_indirect_dma semaphore(%run_scoped3A_145 : memref<!tpu.dma_semaphore, #tpu.memory_space<semaphore_mem>>) src(%arg15 : memref<125x16xf32, #tpu.memory_space<vmem>>) dst(%dma_wait3A_157 : memref<10112x16xf32, #tpu.memory_space<vmem_shared>>)
        tpu.yield
      }) : () -> ()
      %ge3A_77 = arith.constant 2 : i32
      %ge3A_78 = arith.cmpi sge, %add3A_64, %ge3A_77 : i32
      %convert_element_type3A_79 = arith.extui %ge3A_78 : i1 to i32
      %cond3A_80 = arith.constant 0 : i32
      %cond3A_81 = arith.cmpi ne, %convert_element_type3A_79, %cond3A_80 : i32
      scf.if %cond3A_81 {
        %dma_wait3A_145 = arith.constant 0 : i32
        %dma_wait3A_146 = tpu.memref_slice %arg9[%add3A_64, %dma_wait3A_145] : memref<80x125xi32, #tpu.memory_space<vmem>> -> memref<1x125xi32, #tpu.memory_space<vmem>>
        %dma_wait3A_147 = tpu.memref_squeeze %dma_wait3A_146 : memref<1x125xi32, #tpu.memory_space<vmem>> -> memref<125xi32, #tpu.memory_space<vmem>>
        %dma_wait3A_148 = arith.constant 0 : i32
        %dma_wait3A_149 = arith.constant 0 : i32
        %dma_wait3A_150 = tpu.memref_slice %arg16[%dma_wait3A_148, %dma_wait3A_149] : memref<10112x64xf32, #tpu.memory_space<vmem_shared>> -> memref<10112x64xf32, #tpu.memory_space<vmem_shared>>
        tpu.wait_indirect_dma semaphore(%arg25 : memref<!tpu.dma_semaphore, #tpu.memory_space<semaphore_mem>>) src(%arg14 : memref<125x64xf32, #tpu.memory_space<vmem>>) dst(%dma_wait3A_150 : memref<10112x64xf32, #tpu.memory_space<vmem_shared>>)
      } else {
      }
      %add3A_82 = arith.constant 2 : i32
      %add3A_83 = arith.addi %add3A_64, %add3A_82 : i32
      %lt3A_84 = arith.constant 80 : i32
      %lt3A_85 = arith.cmpi slt, %add3A_83, %lt3A_84 : i32
      %convert_element_type3A_86 = arith.extui %lt3A_85 : i1 to i32
      %cond3A_87 = arith.constant 0 : i32
      %cond3A_88 = arith.cmpi ne, %convert_element_type3A_86, %cond3A_87 : i32
      scf.if %cond3A_88 {
        %add3A_145 = arith.constant 2 : i32
        %add3A_146 = arith.addi %add3A_64, %add3A_145 : i32
        %dma_start3A_147 = arith.constant 0 : i32
        %dma_start3A_148 = tpu.memref_slice %arg10[%add3A_146, %dma_start3A_147] : memref<80x125xi32, #tpu.memory_space<vmem>> -> memref<1x125xi32, #tpu.memory_space<vmem>>
        %dma_start3A_149 = tpu.memref_squeeze %dma_start3A_148 : memref<1x125xi32, #tpu.memory_space<vmem>> -> memref<125xi32, #tpu.memory_space<vmem>>
        %dma_start3A_150 = arith.constant 0 : i32
        %dma_start3A_151 = arith.constant 0 : i32
        %dma_start3A_152 = tpu.memref_slice %arg3[%dma_start3A_150, %dma_start3A_151] : memref<10000x64xf32, #tpu.memory_space<hbm>> -> memref<10000x64xf32, #tpu.memory_space<hbm>>
        tpu.enqueue_indirect_dma source(%dma_start3A_152 : memref<10000x64xf32, #tpu.memory_space<hbm>>) target(%arg14 : memref<125x64xf32, #tpu.memory_space<vmem>>) offsets(%dma_start3A_149 : memref<125xi32, #tpu.memory_space<vmem>>) semaphore(%arg21 : memref<!tpu.dma_semaphore, #tpu.memory_space<semaphore_mem>>)
      } else {
      }
      %mul3A_89 = arith.constant 4 : i32
      %mul3A_90 = arith.muli %mul3A_89, %scan3A_36 : i32
      %add3A_91 = arith.constant 2 : i32
      %add3A_92 = arith.addi %mul3A_90, %add3A_91 : i32
      %dma_wait3A_93 = arith.constant 0 : i32
      %dma_wait3A_94 = tpu.memref_slice %arg10[%add3A_92, %dma_wait3A_93] : memref<80x125xi32, #tpu.memory_space<vmem>> -> memref<1x125xi32, #tpu.memory_space<vmem>>
      %dma_wait3A_95 = tpu.memref_squeeze %dma_wait3A_94 : memref<1x125xi32, #tpu.memory_space<vmem>> -> memref<125xi32, #tpu.memory_space<vmem>>
      %dma_wait3A_96 = arith.constant 0 : i32
      %dma_wait3A_97 = arith.constant 0 : i32
      %dma_wait3A_98 = tpu.memref_slice %arg3[%dma_wait3A_96, %dma_wait3A_97] : memref<10000x64xf32, #tpu.memory_space<hbm>> -> memref<10000x64xf32, #tpu.memory_space<hbm>>
      tpu.wait_indirect_dma semaphore(%arg20 : memref<!tpu.dma_semaphore, #tpu.memory_space<semaphore_mem>>) src(%dma_wait3A_98 : memref<10000x64xf32, #tpu.memory_space<hbm>>) dst(%arg13 : memref<125x64xf32, #tpu.memory_space<vmem>>)
      %dma_start3A_99 = arith.constant 0 : i32
      %dma_start3A_100 = tpu.memref_slice %arg9[%add3A_92, %dma_start3A_99] : memref<80x125xi32, #tpu.memory_space<vmem>> -> memref<1x125xi32, #tpu.memory_space<vmem>>
      %dma_start3A_101 = tpu.memref_squeeze %dma_start3A_100 : memref<1x125xi32, #tpu.memory_space<vmem>> -> memref<125xi32, #tpu.memory_space<vmem>>
      %dma_start3A_102 = arith.constant 0 : i32
      %dma_start3A_103 = arith.constant 0 : i32
      %dma_start3A_104 = tpu.memref_slice %arg16[%dma_start3A_102, %dma_start3A_103] : memref<10112x64xf32, #tpu.memory_space<vmem_shared>> -> memref<10112x64xf32, #tpu.memory_space<vmem_shared>>
      tpu.enqueue_indirect_dma source(%arg13 : memref<125x64xf32, #tpu.memory_space<vmem>>) target(%dma_start3A_104 : memref<10112x64xf32, #tpu.memory_space<vmem_shared>>) offsets(%dma_start3A_101 : memref<125xi32, #tpu.memory_space<vmem>>) semaphore(%arg24 : memref<!tpu.dma_semaphore, #tpu.memory_space<semaphore_mem>>) {add = true}
      "tpu.region"() ({
        %run_scoped3A_145 = tpu.sem_alloc : memref<!tpu.dma_semaphore, #tpu.memory_space<semaphore_mem>>
        %dma_start3A_146 = arith.constant 0 : i32
        %dma_start3A_147 = tpu.memref_slice %arg9[%add3A_92, %dma_start3A_146] : memref<80x125xi32, #tpu.memory_space<vmem>> -> memref<1x125xi32, #tpu.memory_space<vmem>>
        %dma_start3A_148 = tpu.memref_squeeze %dma_start3A_147 : memref<1x125xi32, #tpu.memory_space<vmem>> -> memref<125xi32, #tpu.memory_space<vmem>>
        %dma_start3A_149 = arith.constant 0 : i32
        %dma_start3A_150 = arith.constant 0 : i32
        %dma_start3A_151 = tpu.memref_slice %arg17[%dma_start3A_149, %dma_start3A_150] : memref<10112x16xf32, #tpu.memory_space<vmem_shared>> -> memref<10112x16xf32, #tpu.memory_space<vmem_shared>>
        tpu.enqueue_indirect_dma source(%arg15 : memref<125x16xf32, #tpu.memory_space<vmem>>) target(%dma_start3A_151 : memref<10112x16xf32, #tpu.memory_space<vmem_shared>>) offsets(%dma_start3A_148 : memref<125xi32, #tpu.memory_space<vmem>>) semaphore(%run_scoped3A_145 : memref<!tpu.dma_semaphore, #tpu.memory_space<semaphore_mem>>) {add = true}
        %dma_wait3A_152 = arith.constant 0 : i32
        %dma_wait3A_153 = tpu.memref_slice %arg9[%add3A_92, %dma_wait3A_152] : memref<80x125xi32, #tpu.memory_space<vmem>> -> memref<1x125xi32, #tpu.memory_space<vmem>>
        %dma_wait3A_154 = tpu.memref_squeeze %dma_wait3A_153 : memref<1x125xi32, #tpu.memory_space<vmem>> -> memref<125xi32, #tpu.memory_space<vmem>>
        %dma_wait3A_155 = arith.constant 0 : i32
        %dma_wait3A_156 = arith.constant 0 : i32
        %dma_wait3A_157 = tpu.memref_slice %arg17[%dma_wait3A_155, %dma_wait3A_156] : memref<10112x16xf32, #tpu.memory_space<vmem_shared>> -> memref<10112x16xf32, #tpu.memory_space<vmem_shared>>
        tpu.wait_indirect_dma semaphore(%run_scoped3A_145 : memref<!tpu.dma_semaphore, #tpu.memory_space<semaphore_mem>>) src(%arg15 : memref<125x16xf32, #tpu.memory_space<vmem>>) dst(%dma_wait3A_157 : memref<10112x16xf32, #tpu.memory_space<vmem_shared>>)
        tpu.yield
      }) : () -> ()
      %ge3A_105 = arith.constant 2 : i32
      %ge3A_106 = arith.cmpi sge, %add3A_92, %ge3A_105 : i32
      %convert_element_type3A_107 = arith.extui %ge3A_106 : i1 to i32
      %cond3A_108 = arith.constant 0 : i32
      %cond3A_109 = arith.cmpi ne, %convert_element_type3A_107, %cond3A_108 : i32
      scf.if %cond3A_109 {
        %dma_wait3A_145 = arith.constant 0 : i32
        %dma_wait3A_146 = tpu.memref_slice %arg9[%add3A_92, %dma_wait3A_145] : memref<80x125xi32, #tpu.memory_space<vmem>> -> memref<1x125xi32, #tpu.memory_space<vmem>>
        %dma_wait3A_147 = tpu.memref_squeeze %dma_wait3A_146 : memref<1x125xi32, #tpu.memory_space<vmem>> -> memref<125xi32, #tpu.memory_space<vmem>>
        %dma_wait3A_148 = arith.constant 0 : i32
        %dma_wait3A_149 = arith.constant 0 : i32
        %dma_wait3A_150 = tpu.memref_slice %arg16[%dma_wait3A_148, %dma_wait3A_149] : memref<10112x64xf32, #tpu.memory_space<vmem_shared>> -> memref<10112x64xf32, #tpu.memory_space<vmem_shared>>
        tpu.wait_indirect_dma semaphore(%arg22 : memref<!tpu.dma_semaphore, #tpu.memory_space<semaphore_mem>>) src(%arg11 : memref<125x64xf32, #tpu.memory_space<vmem>>) dst(%dma_wait3A_150 : memref<10112x64xf32, #tpu.memory_space<vmem_shared>>)
      } else {
      }
      %add3A_110 = arith.constant 2 : i32
      %add3A_111 = arith.addi %add3A_92, %add3A_110 : i32
      %lt3A_112 = arith.constant 80 : i32
      %lt3A_113 = arith.cmpi slt, %add3A_111, %lt3A_112 : i32
      %convert_element_type3A_114 = arith.extui %lt3A_113 : i1 to i32
      %cond3A_115 = arith.constant 0 : i32
      %cond3A_116 = arith.cmpi ne, %convert_element_type3A_114, %cond3A_115 : i32
      scf.if %cond3A_116 {
        %add3A_145 = arith.constant 2 : i32
        %add3A_146 = arith.addi %add3A_92, %add3A_145 : i32
        %dma_start3A_147 = arith.constant 0 : i32
        %dma_start3A_148 = tpu.memref_slice %arg10[%add3A_146, %dma_start3A_147] : memref<80x125xi32, #tpu.memory_space<vmem>> -> memref<1x125xi32, #tpu.memory_space<vmem>>
        %dma_start3A_149 = tpu.memref_squeeze %dma_start3A_148 : memref<1x125xi32, #tpu.memory_space<vmem>> -> memref<125xi32, #tpu.memory_space<vmem>>
        %dma_start3A_150 = arith.constant 0 : i32
        %dma_start3A_151 = arith.constant 0 : i32
        %dma_start3A_152 = tpu.memref_slice %arg3[%dma_start3A_150, %dma_start3A_151] : memref<10000x64xf32, #tpu.memory_space<hbm>> -> memref<10000x64xf32, #tpu.memory_space<hbm>>
        tpu.enqueue_indirect_dma source(%dma_start3A_152 : memref<10000x64xf32, #tpu.memory_space<hbm>>) target(%arg11 : memref<125x64xf32, #tpu.memory_space<vmem>>) offsets(%dma_start3A_149 : memref<125xi32, #tpu.memory_space<vmem>>) semaphore(%arg18 : memref<!tpu.dma_semaphore, #tpu.memory_space<semaphore_mem>>)
      } else {
      }
      %mul3A_117 = arith.constant 4 : i32
      %mul3A_118 = arith.muli %mul3A_117, %scan3A_36 : i32
      %add3A_119 = arith.constant 3 : i32
      %add3A_120 = arith.addi %mul3A_118, %add3A_119 : i32
      %dma_wait3A_121 = arith.constant 0 : i32
      %dma_wait3A_122 = tpu.memref_slice %arg10[%add3A_120, %dma_wait3A_121] : memref<80x125xi32, #tpu.memory_space<vmem>> -> memref<1x125xi32, #tpu.memory_space<vmem>>
      %dma_wait3A_123 = tpu.memref_squeeze %dma_wait3A_122 : memref<1x125xi32, #tpu.memory_space<vmem>> -> memref<125xi32, #tpu.memory_space<vmem>>
      %dma_wait3A_124 = arith.constant 0 : i32
      %dma_wait3A_125 = arith.constant 0 : i32
      %dma_wait3A_126 = tpu.memref_slice %arg3[%dma_wait3A_124, %dma_wait3A_125] : memref<10000x64xf32, #tpu.memory_space<hbm>> -> memref<10000x64xf32, #tpu.memory_space<hbm>>
      tpu.wait_indirect_dma semaphore(%arg21 : memref<!tpu.dma_semaphore, #tpu.memory_space<semaphore_mem>>) src(%dma_wait3A_126 : memref<10000x64xf32, #tpu.memory_space<hbm>>) dst(%arg14 : memref<125x64xf32, #tpu.memory_space<vmem>>)
      %dma_start3A_127 = arith.constant 0 : i32
      %dma_start3A_128 = tpu.memref_slice %arg9[%add3A_120, %dma_start3A_127] : memref<80x125xi32, #tpu.memory_space<vmem>> -> memref<1x125xi32, #tpu.memory_space<vmem>>
      %dma_start3A_129 = tpu.memref_squeeze %dma_start3A_128 : memref<1x125xi32, #tpu.memory_space<vmem>> -> memref<125xi32, #tpu.memory_space<vmem>>
      %dma_start3A_130 = arith.constant 0 : i32
      %dma_start3A_131 = arith.constant 0 : i32
      %dma_start3A_132 = tpu.memref_slice %arg16[%dma_start3A_130, %dma_start3A_131] : memref<10112x64xf32, #tpu.memory_space<vmem_shared>> -> memref<10112x64xf32, #tpu.memory_space<vmem_shared>>
      tpu.enqueue_indirect_dma source(%arg14 : memref<125x64xf32, #tpu.memory_space<vmem>>) target(%dma_start3A_132 : memref<10112x64xf32, #tpu.memory_space<vmem_shared>>) offsets(%dma_start3A_129 : memref<125xi32, #tpu.memory_space<vmem>>) semaphore(%arg25 : memref<!tpu.dma_semaphore, #tpu.memory_space<semaphore_mem>>) {add = true}
      "tpu.region"() ({
        %run_scoped3A_145 = tpu.sem_alloc : memref<!tpu.dma_semaphore, #tpu.memory_space<semaphore_mem>>
        %dma_start3A_146 = arith.constant 0 : i32
        %dma_start3A_147 = tpu.memref_slice %arg9[%add3A_120, %dma_start3A_146] : memref<80x125xi32, #tpu.memory_space<vmem>> -> memref<1x125xi32, #tpu.memory_space<vmem>>
        %dma_start3A_148 = tpu.memref_squeeze %dma_start3A_147 : memref<1x125xi32, #tpu.memory_space<vmem>> -> memref<125xi32, #tpu.memory_space<vmem>>
        %dma_start3A_149 = arith.constant 0 : i32
        %dma_start3A_150 = arith.constant 0 : i32
        %dma_start3A_151 = tpu.memref_slice %arg17[%dma_start3A_149, %dma_start3A_150] : memref<10112x16xf32, #tpu.memory_space<vmem_shared>> -> memref<10112x16xf32, #tpu.memory_space<vmem_shared>>
        tpu.enqueue_indirect_dma source(%arg15 : memref<125x16xf32, #tpu.memory_space<vmem>>) target(%dma_start3A_151 : memref<10112x16xf32, #tpu.memory_space<vmem_shared>>) offsets(%dma_start3A_148 : memref<125xi32, #tpu.memory_space<vmem>>) semaphore(%run_scoped3A_145 : memref<!tpu.dma_semaphore, #tpu.memory_space<semaphore_mem>>) {add = true}
        %dma_wait3A_152 = arith.constant 0 : i32
        %dma_wait3A_153 = tpu.memref_slice %arg9[%add3A_120, %dma_wait3A_152] : memref<80x125xi32, #tpu.memory_space<vmem>> -> memref<1x125xi32, #tpu.memory_space<vmem>>
        %dma_wait3A_154 = tpu.memref_squeeze %dma_wait3A_153 : memref<1x125xi32, #tpu.memory_space<vmem>> -> memref<125xi32, #tpu.memory_space<vmem>>
        %dma_wait3A_155 = arith.constant 0 : i32
        %dma_wait3A_156 = arith.constant 0 : i32
        %dma_wait3A_157 = tpu.memref_slice %arg17[%dma_wait3A_155, %dma_wait3A_156] : memref<10112x16xf32, #tpu.memory_space<vmem_shared>> -> memref<10112x16xf32, #tpu.memory_space<vmem_shared>>
        tpu.wait_indirect_dma semaphore(%run_scoped3A_145 : memref<!tpu.dma_semaphore, #tpu.memory_space<semaphore_mem>>) src(%arg15 : memref<125x16xf32, #tpu.memory_space<vmem>>) dst(%dma_wait3A_157 : memref<10112x16xf32, #tpu.memory_space<vmem_shared>>)
        tpu.yield
      }) : () -> ()
      %ge3A_133 = arith.constant 2 : i32
      %ge3A_134 = arith.cmpi sge, %add3A_120, %ge3A_133 : i32
      %convert_element_type3A_135 = arith.extui %ge3A_134 : i1 to i32
      %cond3A_136 = arith.constant 0 : i32
      %cond3A_137 = arith.cmpi ne, %convert_element_type3A_135, %cond3A_136 : i32
      scf.if %cond3A_137 {
        %dma_wait3A_145 = arith.constant 0 : i32
        %dma_wait3A_146 = tpu.memref_slice %arg9[%add3A_120, %dma_wait3A_145] : memref<80x125xi32, #tpu.memory_space<vmem>> -> memref<1x125xi32, #tpu.memory_space<vmem>>
        %dma_wait3A_147 = tpu.memref_squeeze %dma_wait3A_146 : memref<1x125xi32, #tpu.memory_space<vmem>> -> memref<125xi32, #tpu.memory_space<vmem>>
        %dma_wait3A_148 = arith.constant 0 : i32
        %dma_wait3A_149 = arith.constant 0 : i32
        %dma_wait3A_150 = tpu.memref_slice %arg16[%dma_wait3A_148, %dma_wait3A_149] : memref<10112x64xf32, #tpu.memory_space<vmem_shared>> -> memref<10112x64xf32, #tpu.memory_space<vmem_shared>>
        tpu.wait_indirect_dma semaphore(%arg23 : memref<!tpu.dma_semaphore, #tpu.memory_space<semaphore_mem>>) src(%arg12 : memref<125x64xf32, #tpu.memory_space<vmem>>) dst(%dma_wait3A_150 : memref<10112x64xf32, #tpu.memory_space<vmem_shared>>)
      } else {
      }
      %add3A_138 = arith.constant 2 : i32
      %add3A_139 = arith.addi %add3A_120, %add3A_138 : i32
      %lt3A_140 = arith.constant 80 : i32
      %lt3A_141 = arith.cmpi slt, %add3A_139, %lt3A_140 : i32
      %convert_element_type3A_142 = arith.extui %lt3A_141 : i1 to i32
      %cond3A_143 = arith.constant 0 : i32
      %cond3A_144 = arith.cmpi ne, %convert_element_type3A_142, %cond3A_143 : i32
      scf.if %cond3A_144 {
        %add3A_145 = arith.constant 2 : i32
        %add3A_146 = arith.addi %add3A_120, %add3A_145 : i32
        %dma_start3A_147 = arith.constant 0 : i32
        %dma_start3A_148 = tpu.memref_slice %arg10[%add3A_146, %dma_start3A_147] : memref<80x125xi32, #tpu.memory_space<vmem>> -> memref<1x125xi32, #tpu.memory_space<vmem>>
        %dma_start3A_149 = tpu.memref_squeeze %dma_start3A_148 : memref<1x125xi32, #tpu.memory_space<vmem>> -> memref<125xi32, #tpu.memory_space<vmem>>
        %dma_start3A_150 = arith.constant 0 : i32
        %dma_start3A_151 = arith.constant 0 : i32
        %dma_start3A_152 = tpu.memref_slice %arg3[%dma_start3A_150, %dma_start3A_151] : memref<10000x64xf32, #tpu.memory_space<hbm>> -> memref<10000x64xf32, #tpu.memory_space<hbm>>
        tpu.enqueue_indirect_dma source(%dma_start3A_152 : memref<10000x64xf32, #tpu.memory_space<hbm>>) target(%arg12 : memref<125x64xf32, #tpu.memory_space<vmem>>) offsets(%dma_start3A_149 : memref<125xi32, #tpu.memory_space<vmem>>) semaphore(%arg19 : memref<!tpu.dma_semaphore, #tpu.memory_space<semaphore_mem>>)
      } else {
      }
    }
    %scan3A_21 = arith.constant 20 : i32
    %dma_wait3A = arith.constant 78 : i32
    %dma_wait3A_22 = arith.constant 0 : i32
    %dma_wait3A_23 = tpu.memref_slice %arg9[%dma_wait3A, %dma_wait3A_22] : memref<80x125xi32, #tpu.memory_space<vmem>> -> memref<1x125xi32, #tpu.memory_space<vmem>>
    %dma_wait3A_24 = tpu.memref_squeeze %dma_wait3A_23 : memref<1x125xi32, #tpu.memory_space<vmem>> -> memref<125xi32, #tpu.memory_space<vmem>>
    %dma_wait3A_25 = arith.constant 0 : i32
    %dma_wait3A_26 = arith.constant 0 : i32
    %dma_wait3A_27 = tpu.memref_slice %arg16[%dma_wait3A_25, %dma_wait3A_26] : memref<10112x64xf32, #tpu.memory_space<vmem_shared>> -> memref<10112x64xf32, #tpu.memory_space<vmem_shared>>
    tpu.wait_indirect_dma semaphore(%arg24 : memref<!tpu.dma_semaphore, #tpu.memory_space<semaphore_mem>>) src(%arg13 : memref<125x64xf32, #tpu.memory_space<vmem>>) dst(%dma_wait3A_27 : memref<10112x64xf32, #tpu.memory_space<vmem_shared>>)
    %dma_wait3A_28 = arith.constant 79 : i32
    %dma_wait3A_29 = arith.constant 0 : i32
    %dma_wait3A_30 = tpu.memref_slice %arg9[%dma_wait3A_28, %dma_wait3A_29] : memref<80x125xi32, #tpu.memory_space<vmem>> -> memref<1x125xi32, #tpu.memory_space<vmem>>
    %dma_wait3A_31 = tpu.memref_squeeze %dma_wait3A_30 : memref<1x125xi32, #tpu.memory_space<vmem>> -> memref<125xi32, #tpu.memory_space<vmem>>
    %dma_wait3A_32 = arith.constant 0 : i32
    %dma_wait3A_33 = arith.constant 0 : i32
    %dma_wait3A_34 = tpu.memref_slice %arg16[%dma_wait3A_32, %dma_wait3A_33] : memref<10112x64xf32, #tpu.memory_space<vmem_shared>> -> memref<10112x64xf32, #tpu.memory_space<vmem_shared>>
    tpu.wait_indirect_dma semaphore(%arg25 : memref<!tpu.dma_semaphore, #tpu.memory_space<semaphore_mem>>) src(%arg14 : memref<125x64xf32, #tpu.memory_space<vmem>>) dst(%dma_wait3A_34 : memref<10112x64xf32, #tpu.memory_space<vmem_shared>>)
    %barrier3A_35 = arith.constant 0 : index
    tpu.barrier barrier_id(%barrier3A_35)
    "tpu.region"() ({
      %run_scoped3A_36 = tpu.sem_alloc : memref<!tpu.dma_semaphore, #tpu.memory_space<semaphore_mem>>
      %dma_start3A_37 = arith.constant 0 : i32
      %dma_start3A_38 = tpu.memref_slice %arg7[%arg0, %mul3A_2, %dma_start3A_37] : memref<2x10112x64xf32, #tpu.memory_space<hbm>> -> memref<1x632x64xf32, #tpu.memory_space<hbm>>
      %dma_start3A_39 = tpu.memref_squeeze %dma_start3A_38 : memref<1x632x64xf32, #tpu.memory_space<hbm>> -> memref<632x64xf32, #tpu.memory_space<hbm>>
      %dma_start3A_40 = arith.constant 0 : i32
      %dma_start3A_41 = tpu.memref_slice %arg16[%mul3A_2, %dma_start3A_40] : memref<10112x64xf32, #tpu.memory_space<vmem_shared>> -> memref<632x64xf32, #tpu.memory_space<vmem_shared>>
      tpu.enqueue_dma source(%dma_start3A_41 : memref<632x64xf32, #tpu.memory_space<vmem_shared>>) target(%dma_start3A_39 : memref<632x64xf32, #tpu.memory_space<hbm>>) target_semaphore(%run_scoped3A_36 : memref<!tpu.dma_semaphore, #tpu.memory_space<semaphore_mem>>)
      %dma_wait3A_42 = arith.constant 0 : i32
      %dma_wait3A_43 = tpu.memref_slice %arg7[%arg0, %mul3A_2, %dma_wait3A_42] : memref<2x10112x64xf32, #tpu.memory_space<hbm>> -> memref<1x632x64xf32, #tpu.memory_space<hbm>>
      %dma_wait3A_44 = tpu.memref_squeeze %dma_wait3A_43 : memref<1x632x64xf32, #tpu.memory_space<hbm>> -> memref<632x64xf32, #tpu.memory_space<hbm>>
      %dma_wait3A_45 = arith.constant 0 : i32
      %dma_wait3A_46 = tpu.memref_slice %arg16[%mul3A_2, %dma_wait3A_45] : memref<10112x64xf32, #tpu.memory_space<vmem_shared>> -> memref<632x64xf32, #tpu.memory_space<vmem_shared>>
      tpu.wait_dma2 semaphore(%run_scoped3A_36 : memref<!tpu.dma_semaphore, #tpu.memory_space<semaphore_mem>>) src(%dma_wait3A_46 : memref<632x64xf32, #tpu.memory_space<vmem_shared>>) dst(%dma_wait3A_44 : memref<632x64xf32, #tpu.memory_space<hbm>>)
      tpu.yield
    }) : () -> ()
    "tpu.region"() ({
      %run_scoped3A_36 = tpu.sem_alloc : memref<!tpu.dma_semaphore, #tpu.memory_space<semaphore_mem>>
      %dma_start3A_37 = arith.constant 0 : i32
      %dma_start3A_38 = tpu.memref_slice %arg8[%arg0, %mul3A_2, %dma_start3A_37] : memref<2x10112x16xf32, #tpu.memory_space<hbm>> -> memref<1x632x16xf32, #tpu.memory_space<hbm>>
      %dma_start3A_39 = tpu.memref_squeeze %dma_start3A_38 : memref<1x632x16xf32, #tpu.memory_space<hbm>> -> memref<632x16xf32, #tpu.memory_space<hbm>>
      %dma_start3A_40 = arith.constant 0 : i32
      %dma_start3A_41 = tpu.memref_slice %arg17[%mul3A_2, %dma_start3A_40] : memref<10112x16xf32, #tpu.memory_space<vmem_shared>> -> memref<632x16xf32, #tpu.memory_space<vmem_shared>>
      tpu.enqueue_dma source(%dma_start3A_41 : memref<632x16xf32, #tpu.memory_space<vmem_shared>>) target(%dma_start3A_39 : memref<632x16xf32, #tpu.memory_space<hbm>>) target_semaphore(%run_scoped3A_36 : memref<!tpu.dma_semaphore, #tpu.memory_space<semaphore_mem>>)
      %dma_wait3A_42 = arith.constant 0 : i32
      %dma_wait3A_43 = tpu.memref_slice %arg8[%arg0, %mul3A_2, %dma_wait3A_42] : memref<2x10112x16xf32, #tpu.memory_space<hbm>> -> memref<1x632x16xf32, #tpu.memory_space<hbm>>
      %dma_wait3A_44 = tpu.memref_squeeze %dma_wait3A_43 : memref<1x632x16xf32, #tpu.memory_space<hbm>> -> memref<632x16xf32, #tpu.memory_space<hbm>>
      %dma_wait3A_45 = arith.constant 0 : i32
      %dma_wait3A_46 = tpu.memref_slice %arg17[%mul3A_2, %dma_wait3A_45] : memref<10112x16xf32, #tpu.memory_space<vmem_shared>> -> memref<632x16xf32, #tpu.memory_space<vmem_shared>>
      tpu.wait_dma2 semaphore(%run_scoped3A_36 : memref<!tpu.dma_semaphore, #tpu.memory_space<semaphore_mem>>) src(%dma_wait3A_46 : memref<632x16xf32, #tpu.memory_space<vmem_shared>>) dst(%dma_wait3A_44 : memref<632x16xf32, #tpu.memory_space<hbm>>)
      tpu.yield
    }) : () -> ()
    return
  }
}

module attributes {stable_mosaic.version = 14 : i64} {
  func.func @body(%arg0: i32, %arg1: memref<1000x128xf32, #tpu.memory_space<vmem>>, %arg2: memref<128x64xf32, #tpu.memory_space<vmem>>, %arg3: memref<1000x64xf32, #tpu.memory_space<vmem>>) attributes {dimension_semantics = [#tpu.dimension_semantics<arbitrary>], iteration_bounds = array<i64: 10>, scalar_prefetch = 0 : i64, scratch_operands = 0 : i64, tpu.core_type = #tpu.core_type<tc>, window_params = [{transform_indices = @transform_0, window_bounds = array<i64: 1000, 128>}, {pipeline_mode = #tpu.pipeline_mode<synchronous>, transform_indices = @transform_1, window_bounds = array<i64: 128, 64>}, {transform_indices = @transform_2, window_bounds = array<i64: 1000, 64>}]} {
    %get3A = arith.constant 0 : index
    %get3A_0 = arith.constant 0 : index
    %get3A_1 = vector.load %arg1[%get3A, %get3A_0] : memref<1000x128xf32, #tpu.memory_space<vmem>>, vector<1000x128xf32>
    %get3A_2 = arith.constant 0 : index
    %get3A_3 = arith.constant 0 : index
    %get3A_4 = vector.load %arg2[%get3A_2, %get3A_3] : memref<128x64xf32, #tpu.memory_space<vmem>>, vector<128x64xf32>
    %dot_general3A = arith.constant dense<0.000000e+00> : vector<1000x64xf32>
    %dot_general3A_5 = tpu.matmul %get3A_1, %get3A_4, %dot_general3A {dimension_numbers = #tpu.dot_dimension_numbers<[1], [0], [0], [1], [0, 0, 1, 1], [], []>, transpose_lhs_hint = false} : vector<1000x128xf32>, vector<128x64xf32>, vector<1000x64xf32> -> vector<1000x64xf32>
    %swap3A = arith.constant 0 : index
    %swap3A_6 = arith.constant 0 : index
    %swap3A_7 = vector.load %arg3[%swap3A, %swap3A_6] : memref<1000x64xf32, #tpu.memory_space<vmem>>, vector<1000x64xf32>
    tpu.vector_store %arg3[%swap3A, %swap3A_6], %dot_general3A_5 {strides = array<i32>} : memref<1000x64xf32, #tpu.memory_space<vmem>>, vector<1000x64xf32>,
    return
  }
  func.func @transform_0(%arg0: i32) -> (i32, i32) {
    %c0_i32 = arith.constant 0 : i32
    %c0_i32_0 = arith.constant 0 : i32
    return %arg0, %c0_i32 : i32, i32
  }
  func.func @transform_1(%arg0: i32) -> (i32, i32) {
    %c0_i32 = arith.constant 0 : i32
    %c0_i32_0 = arith.constant 0 : i32
    %c0_i32_1 = arith.constant 0 : i32
    return %c0_i32, %c0_i32_0 : i32, i32
  }
  func.func @transform_2(%arg0: i32) -> (i32, i32) {
    %c0_i32 = arith.constant 0 : i32
    %c0_i32_0 = arith.constant 0 : i32
    return %arg0, %c0_i32 : i32, i32
  }
}

module attributes {stable_mosaic.version = 14 : i64} {
  func.func @body(%arg0: i32, %arg1: memref<2000x64xf32, #tpu.memory_space<vmem>>, %arg2: memref<2x2000x64xf32, #tpu.memory_space<vmem>>, %arg3: memref<2x2000x16xf32, #tpu.memory_space<vmem>>, %arg4: memref<64xf32, #tpu.memory_space<vmem>>, %arg5: memref<64x64xf32, #tpu.memory_space<vmem>>, %arg6: memref<64xf32, #tpu.memory_space<vmem>>, %arg7: memref<64x1xf32, #tpu.memory_space<vmem>>, %arg8: memref<1xf32, #tpu.memory_space<vmem>>, %arg9: memref<1x1xf32, #tpu.memory_space<vmem>>, %arg10: memref<1x64xf32, #tpu.memory_space<vmem>>) attributes {dimension_semantics = [#tpu.dimension_semantics<arbitrary>], iteration_bounds = array<i64: 5>, scalar_prefetch = 0 : i64, scratch_operands = 1 : i64, tpu.core_type = #tpu.core_type<tc>, window_params = [{transform_indices = @transform_0, window_bounds = array<i64: 2000, 64>}, {transform_indices = @transform_1, window_bounds = array<i64: 2, 2000, 64>}, {transform_indices = @transform_2, window_bounds = array<i64: 2, 2000, 16>}, {pipeline_mode = #tpu.pipeline_mode<synchronous>, transform_indices = @transform_3, window_bounds = array<i64: 64>}, {pipeline_mode = #tpu.pipeline_mode<synchronous>, transform_indices = @transform_4, window_bounds = array<i64: 64, 64>}, {pipeline_mode = #tpu.pipeline_mode<synchronous>, transform_indices = @transform_5, window_bounds = array<i64: 64>}, {pipeline_mode = #tpu.pipeline_mode<synchronous>, transform_indices = @transform_6, window_bounds = array<i64: 64, 1>}, {pipeline_mode = #tpu.pipeline_mode<synchronous>, transform_indices = @transform_7, window_bounds = array<i64: 1>}, {pipeline_mode = #tpu.pipeline_mode<synchronous>, transform_indices = @transform_8, window_bounds = array<i64: 1, 1>}]} {
    %eq3A = arith.constant 0 : i32
    %eq3A_0 = arith.cmpi eq, %arg0, %eq3A : i32
    %convert_element_type3A = arith.extui %eq3A_0 : i1 to i32
    %cond3A = arith.constant 0 : i32
    %cond3A_1 = arith.cmpi ne, %convert_element_type3A, %cond3A : i32
    scf.if %cond3A_1 {
      %broadcast_in_dim3A_63 = arith.constant 0.000000e+00 : f32
      %broadcast_in_dim3A_64 = vector.broadcast %broadcast_in_dim3A_63 : f32 to vector<1x64xf32>
      %swap3A_65 = arith.constant 0 : index
      %swap3A_66 = arith.constant 0 : index
      %swap3A_67 = vector.load %arg10[%swap3A_65, %swap3A_66] : memref<1x64xf32, #tpu.memory_space<vmem>>, vector<1x64xf32>
      tpu.vector_store %arg10[%swap3A_65, %swap3A_66], %broadcast_in_dim3A_64 {strides = array<i32>} : memref<1x64xf32, #tpu.memory_space<vmem>>, vector<1x64xf32>,
    } else {
    }
    %get3A = arith.constant 0 : index
    %get3A_2 = arith.constant 0 : index
    %get3A_3 = arith.constant 0 : index
    %get3A_4 = vector.load %arg2[%get3A, %get3A_2, %get3A_3] : memref<2x2000x64xf32, #tpu.memory_space<vmem>>, vector<1x2000x64xf32>
    %get3A_5 = vector.shape_cast %get3A_4 : vector<1x2000x64xf32> to vector<2000x64xf32>
    %get3A_6 = arith.constant 1 : index
    %get3A_7 = arith.constant 0 : index
    %get3A_8 = arith.constant 0 : index
    %get3A_9 = vector.load %arg2[%get3A_6, %get3A_7, %get3A_8] : memref<2x2000x64xf32, #tpu.memory_space<vmem>>, vector<1x2000x64xf32>
    %get3A_10 = vector.shape_cast %get3A_9 : vector<1x2000x64xf32> to vector<2000x64xf32>
    %add3A = arith.addf %get3A_5, %get3A_10 : vector<2000x64xf32>
    %get3A_11 = arith.constant 0 : index
    %get3A_12 = arith.constant 0 : index
    %get3A_13 = arith.constant 0 : index
    %get3A_14 = vector.load %arg3[%get3A_11, %get3A_12, %get3A_13] : memref<2x2000x16xf32, #tpu.memory_space<vmem>>, vector<1x2000x1xf32>
    %get3A_15 = vector.shape_cast %get3A_14 : vector<1x2000x1xf32> to vector<2000x1xf32>
    %get3A_16 = arith.constant 1 : index
    %get3A_17 = arith.constant 0 : index
    %get3A_18 = arith.constant 0 : index
    %get3A_19 = vector.load %arg3[%get3A_16, %get3A_17, %get3A_18] : memref<2x2000x16xf32, #tpu.memory_space<vmem>>, vector<1x2000x1xf32>
    %get3A_20 = vector.shape_cast %get3A_19 : vector<1x2000x1xf32> to vector<2000x1xf32>
    %add3A_21 = arith.addf %get3A_15, %get3A_20 : vector<2000x1xf32>
    %max3A = arith.constant 1.000000e+00 : f32
    %max3A_22 = vector.broadcast %max3A : f32 to vector<2000x1xf32>
    %max3A_23 = arith.maximumf %add3A_21, %max3A_22 : vector<2000x1xf32>
    %get3A_24 = arith.constant 0 : index
    %get3A_25 = arith.constant 0 : index
    %get3A_26 = vector.load %arg1[%get3A_24, %get3A_25] : memref<2000x64xf32, #tpu.memory_space<vmem>>, vector<2000x64xf32>
    %div3A = arith.constant 1.000000e+00 : f32
    %div3A_27 = vector.broadcast %div3A : f32 to vector<2000x1xf32>
    %div3A_28 = arith.divf %div3A_27, %max3A_23 : vector<2000x1xf32>
    %mul3A = vector.broadcast %div3A_28 : vector<2000x1xf32> to vector<2000x64xf32>
    %mul3A_29 = arith.mulf %add3A, %mul3A : vector<2000x64xf32>
    %add3A_30 = arith.addf %get3A_26, %mul3A_29 : vector<2000x64xf32>
    %get3A_31 = arith.constant 0 : index
    %get3A_32 = vector.load %arg4[%get3A_31] : memref<64xf32, #tpu.memory_space<vmem>>, vector<64xf32>
    %broadcast_in_dim3A = vector.shape_cast %get3A_32 : vector<64xf32> to vector<1x64xf32>
    %add3A_33 = vector.broadcast %broadcast_in_dim3A : vector<1x64xf32> to vector<2000x64xf32>
    %add3A_34 = arith.addf %add3A_30, %add3A_33 : vector<2000x64xf32>
    %max3A_35 = arith.constant 0.000000e+00 : f32
    %max3A_36 = vector.broadcast %max3A_35 : f32 to vector<2000x64xf32>
    %max3A_37 = arith.maximumf %add3A_34, %max3A_36 : vector<2000x64xf32>
    %get3A_38 = arith.constant 0 : index
    %get3A_39 = arith.constant 0 : index
    %get3A_40 = vector.load %arg5[%get3A_38, %get3A_39] : memref<64x64xf32, #tpu.memory_space<vmem>>, vector<64x64xf32>
    %dot_general3A = arith.constant dense<0.000000e+00> : vector<2000x64xf32>
    %dot_general3A_41 = tpu.matmul %max3A_37, %get3A_40, %dot_general3A {dimension_numbers = #tpu.dot_dimension_numbers<[1], [0], [0], [1], [0, 0, 1, 1], [], []>, transpose_lhs_hint = false} : vector<2000x64xf32>, vector<64x64xf32>, vector<2000x64xf32> -> vector<2000x64xf32>
    %get3A_42 = arith.constant 0 : index
    %get3A_43 = vector.load %arg6[%get3A_42] : memref<64xf32, #tpu.memory_space<vmem>>, vector<64xf32>
    %broadcast_in_dim3A_44 = vector.shape_cast %get3A_43 : vector<64xf32> to vector<1x64xf32>
    %add3A_45 = vector.broadcast %broadcast_in_dim3A_44 : vector<1x64xf32> to vector<2000x64xf32>
    %add3A_46 = arith.addf %dot_general3A_41, %add3A_45 : vector<2000x64xf32>
    %max3A_47 = arith.constant 0.000000e+00 : f32
    %max3A_48 = vector.broadcast %max3A_47 : f32 to vector<2000x64xf32>
    %max3A_49 = arith.maximumf %add3A_46, %max3A_48 : vector<2000x64xf32>
    %get3A_50 = arith.constant 0 : index
    %get3A_51 = arith.constant 0 : index
    %get3A_52 = vector.load %arg10[%get3A_50, %get3A_51] : memref<1x64xf32, #tpu.memory_space<vmem>>, vector<1x64xf32>
    %reduce_sum3A = arith.constant dense<0.000000e+00> : vector<64xf32>
    %reduce_sum3A_53 = vector.multi_reduction <add>, %max3A_49, %reduce_sum3A [0] : vector<2000x64xf32> to vector<64xf32>
    %broadcast_in_dim3A_54 = vector.shape_cast %reduce_sum3A_53 : vector<64xf32> to vector<1x64xf32>
    %add3A_55 = arith.addf %get3A_52, %broadcast_in_dim3A_54 : vector<1x64xf32>
    %swap3A = arith.constant 0 : index
    %swap3A_56 = arith.constant 0 : index
    %swap3A_57 = vector.load %arg10[%swap3A, %swap3A_56] : memref<1x64xf32, #tpu.memory_space<vmem>>, vector<1x64xf32>
    tpu.vector_store %arg10[%swap3A, %swap3A_56], %add3A_55 {strides = array<i32>} : memref<1x64xf32, #tpu.memory_space<vmem>>, vector<1x64xf32>,
    %eq3A_58 = arith.constant 4 : i32
    %eq3A_59 = arith.cmpi eq, %arg0, %eq3A_58 : i32
    %convert_element_type3A_60 = arith.extui %eq3A_59 : i1 to i32
    %cond3A_61 = arith.constant 0 : i32
    %cond3A_62 = arith.cmpi ne, %convert_element_type3A_60, %cond3A_61 : i32
    scf.if %cond3A_62 {
      %get3A_63 = arith.constant 0 : index
      %get3A_64 = arith.constant 0 : index
      %get3A_65 = vector.load %arg10[%get3A_63, %get3A_64] : memref<1x64xf32, #tpu.memory_space<vmem>>, vector<1x64xf32>
      %div3A_66 = arith.constant 1.000000e+04 : f32
      %div3A_67 = vector.broadcast %div3A_66 : f32 to vector<1x64xf32>
      %div3A_68 = arith.divf %get3A_65, %div3A_67 : vector<1x64xf32>
      %get3A_69 = arith.constant 0 : index
      %get3A_70 = arith.constant 0 : index
      %get3A_71 = vector.load %arg7[%get3A_69, %get3A_70] : memref<64x1xf32, #tpu.memory_space<vmem>>, vector<64x1xf32>
      %dot_general3A_72 = arith.constant dense<0.000000e+00> : vector<1x1xf32>
      %dot_general3A_73 = tpu.matmul %div3A_68, %get3A_71, %dot_general3A_72 {dimension_numbers = #tpu.dot_dimension_numbers<[1], [0], [0], [1], [0, 0, 1, 1], [], []>, transpose_lhs_hint = false} : vector<1x64xf32>, vector<64x1xf32>, vector<1x1xf32> -> vector<1x1xf32>
      %get3A_74 = arith.constant 0 : index
      %get3A_75 = vector.load %arg8[%get3A_74] : memref<1xf32, #tpu.memory_space<vmem>>, vector<1xf32>
      %broadcast_in_dim3A_76 = vector.shape_cast %get3A_75 : vector<1xf32> to vector<1x1xf32>
      %add3A_77 = arith.addf %dot_general3A_73, %broadcast_in_dim3A_76 : vector<1x1xf32>
      %tanh3A = math.tanh %add3A_77 : vector<1x1xf32>
      %swap3A_78 = arith.constant 0 : index
      %swap3A_79 = arith.constant 0 : index
      %swap3A_80 = vector.load %arg9[%swap3A_78, %swap3A_79] : memref<1x1xf32, #tpu.memory_space<vmem>>, vector<1x1xf32>
      tpu.vector_store %arg9[%swap3A_78, %swap3A_79], %tanh3A {strides = array<i32>} : memref<1x1xf32, #tpu.memory_space<vmem>>, vector<1x1xf32>,
    } else {
    }
    return
  }
  func.func @transform_0(%arg0: i32) -> (i32, i32) {
    %c0_i32 = arith.constant 0 : i32
    %c0_i32_0 = arith.constant 0 : i32
    return %arg0, %c0_i32 : i32, i32
  }
  func.func @transform_1(%arg0: i32) -> (i32, i32, i32) {
    %c0_i32 = arith.constant 0 : i32
    %c0_i32_0 = arith.constant 0 : i32
    %c0_i32_1 = arith.constant 0 : i32
    return %c0_i32, %arg0, %c0_i32_0 : i32, i32, i32
  }
  func.func @transform_2(%arg0: i32) -> (i32, i32, i32) {
    %c0_i32 = arith.constant 0 : i32
    %c0_i32_0 = arith.constant 0 : i32
    %c0_i32_1 = arith.constant 0 : i32
    return %c0_i32, %arg0, %c0_i32_0 : i32, i32, i32
  }
  func.func @transform_3(%arg0: i32) -> i32 {
    %c0_i32 = arith.constant 0 : i32
    %c0_i32_0 = arith.constant 0 : i32
    return %c0_i32 : i32
  }
  func.func @transform_4(%arg0: i32) -> (i32, i32) {
    %c0_i32 = arith.constant 0 : i32
    %c0_i32_0 = arith.constant 0 : i32
    %c0_i32_1 = arith.constant 0 : i32
    return %c0_i32, %c0_i32_0 : i32, i32
  }
  func.func @transform_5(%arg0: i32) -> i32 {
    %c0_i32 = arith.constant 0 : i32
    %c0_i32_0 = arith.constant 0 : i32
    return %c0_i32 : i32
  }
  func.func @transform_6(%arg0: i32) -> (i32, i32) {
    %c0_i32 = arith.constant 0 : i32
    %c0_i32_0 = arith.constant 0 : i32
    %c0_i32_1 = arith.constant 0 : i32
    return %c0_i32, %c0_i32_0 : i32, i32
  }
  func.func @transform_7(%arg0: i32) -> i32 {
    %c0_i32 = arith.constant 0 : i32
    %c0_i32_0 = arith.constant 0 : i32
    return %c0_i32 : i32
  }
  func.func @transform_8(%arg0: i32) -> (i32, i32) {
    %c0_i32 = arith.constant 0 : i32
    %c0_i32_0 = arith.constant 0 : i32
    %c0_i32_1 = arith.constant 0 : i32
    return %c0_i32, %c0_i32_0 : i32, i32
  }
}

</mosaic_0001>

<sc_bundles>
// kernel: kernel.5.cloned.1.call-start
scs
__scs_entry_jumppad:
0x0: {  	(pc) =	sbr.rel $0x88, $3  }
0x1: {  	(tag) =	ssettag $0x0;
	lr =	simm.s32 $0x1  }
0x2: {  	[smem:$0x3F99] =	sst lr;
	_ =	strace $0xD0000000  }
0x3: {  	_ = 	snop  }
0x4: {  	_ = 	snop  }
0x5: {  	_ = 	snop  }
0x6: {  	_ = 	snop  }
0x7: {  	_ = 	snop  }
__scs_overlays_trampoline_lowered:
0x8: {  	[smem:$0x3FA8] =	sst s0  }
0x9: {  	[smem:$0x3FA9] =	sst s1  }
0xa: {  	[smem:$0x3FAA] =	sst s2  }
0xb: {  	[smem:$0x3FAB] =	sst s3  }
0xc: {  	[smem:$0x3FAC] =	sst s4  }
0xd: {  	[smem:$0x3FAD] =	sst s5  }
0xe: {  	[smem:$0x3FAE] =	sst s6  }
0xf: {  	[smem:$0x3FAF] =	sst s7  }
0x10: {  	[smem:$0x3FB0] =	sst s8  }
0x11: {  	[smem:$0x3FB1] =	sst s9;
	s0 =	simm.s32 @!p0 $0x0  }
0x12: {  	s1 =	sld [smem:$0x3F97];
	s0 =	simm.s32 @p0 $0x1  }
0x13: {  	[smem:$0x3FB2] =	sst s0;
	s0 =	simm.s32 @!p1 $0x0  }
0x14: {  	s2 =	sld [smem:$0x3F96];
	s0 =	simm.s32 @p1 $0x1  }
0x15: {  	[smem:$0x3FB3] =	sst s0;
	s0 =	simm.s32 @!p2 $0x0  }
0x16: {  	s3 =	sld [smem:$0x3FDB];
	s0 =	simm.s32 @p2 $0x1  }
0x17: {  	s4 =	simm.s32 $0x1BF5;
	[smem:$0x3FB5] =	sst s0  }
0x18: {  	s0 =	sld [smem:$0x3F98];
	_ =	swait.ge [sflag:s4], $0x0  }
0x19: {  	s7 =	sld [smem:$0x3F99]  }
0x1a: {  	s8 =	sadd.s32 $0xFFFFE003, lr  }
0x1b: {  	s9 =	sadd.s32 $0xFFFFFEF7, lr;
	s5 =	simm.s32 $0xFFFFFFFF;
	p2 =	slt.u32 s8, $0xFFFFF086  }
0x1c: {  	p1 =	slt.u32 s9, $0xF7A;
	s5 =	simm.s32 @!p2 $0x0  }
0x1d: {  	s5 =	simm.s32 @p1 $0x1;
	p0 =	seq.s32 s7, s2  }
0x1e: {  	s7 =	smul.u32 @!p0 $0xF7A, s2;
	p2 =	seq.s32 @!p0 s5, $0x0  }
0x1f: {  	s9 =	smul.u32 $0xF7A, s1;
	s8 =	simm.s32 @!p0 $0x1BF5;
	p2 =	por !p2, p0  }
0x20: {  	[sflag:s8] =	ssyncset.s32 @!p0 $0xFFFFF086;
	s6 =	sadd.s32 @!p0 s3, s7;
	s7 =	simm.s32 @!p0 $0x108  }
0x21: {  	s3 =	sadd.s32 s3, s9;
	s6 =	sadd.s32 @!p0 $0x88, s6;
	s7 =	simm.s32 @p2 $0x1082  }
0x22: {  	[simem:s7], [sflag:s8] =	dma.local @!p0 [hbm:s6], $0xF7A  }
0x23: {  	s9 =	sor.u32 $0xD0000000, s2;
	s6 =	simm.s32 $0x108;
	_ =	swait.ge @!p0 [sflag:s8], $0x0  }
0x24: {  	s3 =	sadd.s32 $0x88, s3;
	s6 =	simm.s32 @!p1 $0x1082;
	[sflag:s4] =	ssyncset.s32 $0xFFFFF086  }
0x25: {  	[simem:s6], [sflag:s4] =	dma.local [hbm:s3], $0xF7A  }
0x26: {  	[smem:$0x3F99] =	sst s1;
	(tag) =	ssettag s2;
	_ =	strace s9  }
0x27: {  	s1 =	sld [smem:$0x3FA9]  }
0x28: {  	s2 =	sld [smem:$0x3FAA]  }
0x29: {  	s4 =	sld [smem:$0x3FAC]  }
0x2a: {  	p0 =	seq.s32 s5, $0x0;
	s5 =	sld [smem:$0x3FAD]  }
0x2b: {  	s6 =	sld [smem:$0x3FAE]  }
0x2c: {  	s7 =	sld [smem:$0x3FAF]  }
0x2d: {  	s3 =	simm.s32 $0x108;
	s8 =	sld [smem:$0x3FB0]  }
0x2e: {  	s3 =	simm.s32 @!p0 $0x1082;
	s9 =	sld [smem:$0x3FB1]  }
0x2f: {  	lr =	sadd.s32 s0, s3;
	s0 =	sld [smem:$0x3FA8]  }
0x30: {  	s3 =	sld [smem:$0x3FAB]  }
0x31: {  	[smem:$0x3FB4] =	sst s10  }
0x32: {  	s10 =	sld [smem:$0x3FB2];
	_ =	sdelay $0x3  }
0x33: {  	p0 =	seq.s32 s10, $0x1;
	s10 =	sld [smem:$0x3FB4];
	_ =	sdelay $0x3  }
0x34: {  	[smem:$0x3FB4] =	sst s10  }
0x35: {  	s10 =	sld [smem:$0x3FB3];
	_ =	sdelay $0x3  }
0x36: {  	p1 =	seq.s32 s10, $0x1;
	s10 =	sld [smem:$0x3FB4];
	_ =	sdelay $0x3  }
0x37: {  	[smem:$0x3FB4] =	sst s10  }
0x38: {  	s10 =	sld [smem:$0x3FB5]  }
0x39: {  	_ = 	snop;
	(pc) =	sbr.ind lr, $3  }
0x3a: {  	_ = 	snop  }
0x3b: {  	_ = 	snop  }
0x3c: {  	p2 =	seq.s32 s10, $0x1;
	s10 =	sld [smem:$0x3FB4]  }
0x3d: {  	_ =	shalt  }
0x3e: {  	_ =	shalt  }
0x3f: {  	_ =	shalt  }
0x40: {  	_ =	shalt  }
0x41: {  	_ =	shalt  }
0x42: {  	_ =	shalt  }
0x43: {  	_ =	shalt  }
0x44: {  	_ =	shalt  }
0x45: {  	_ =	shalt  }
0x46: {  	_ =	shalt  }
0x47: {  	_ =	shalt  }
0x48: {  	_ =	shalt  }
0x49: {  	_ =	shalt  }
0x4a: {  	_ =	shalt  }
0x4b: {  	_ =	shalt  }
0x4c: {  	_ =	shalt  }
0x4d: {  	_ =	shalt  }
0x4e: {  	_ =	shalt  }
0x4f: {  	_ =	shalt  }
0x50: {  	_ =	shalt  }
0x51: {  	_ =	shalt  }
0x52: {  	_ =	shalt  }
0x53: {  	_ =	shalt  }
0x54: {  	_ =	shalt  }
0x55: {  	_ =	shalt  }
0x56: {  	_ =	shalt  }
0x57: {  	_ =	shalt  }
0x58: {  	_ =	shalt  }
0x59: {  	_ =	shalt  }
0x5a: {  	_ =	shalt  }
0x5b: {  	_ =	shalt  }
0x5c: {  	_ =	shalt  }
0x5d: {  	_ =	shalt  }
0x5e: {  	_ =	shalt  }
0x5f: {  	_ =	shalt  }
0x60: {  	_ =	shalt  }
0x61: {  	_ =	shalt  }
0x62: {  	_ =	shalt  }
0x63: {  	_ =	shalt  }
0x64: {  	_ =	shalt  }
0x65: {  	_ =	shalt  }
0x66: {  	_ =	shalt  }
0x67: {  	_ =	shalt  }
0x68: {  	_ =	shalt  }
0x69: {  	_ =	shalt  }
0x6a: {  	_ =	shalt  }
0x6b: {  	_ =	shalt  }
0x6c: {  	_ =	shalt  }
0x6d: {  	_ =	shalt  }
0x6e: {  	_ =	shalt  }
0x6f: {  	_ =	shalt  }
0x70: {  	_ =	shalt  }
0x71: {  	_ =	shalt  }
0x72: {  	_ =	shalt  }
0x73: {  	_ =	shalt  }
0x74: {  	_ =	shalt  }
0x75: {  	_ =	shalt  }
0x76: {  	_ =	shalt  }
0x77: {  	_ =	shalt  }
0x78: {  	_ =	shalt  }
0x79: {  	_ =	shalt  }
0x7a: {  	_ =	shalt  }
0x7b: {  	_ =	shalt  }
0x7c: {  	_ =	shalt  }
0x7d: {  	_ =	shalt  }
0x7e: {  	_ =	shalt  }
0x7f: {  	_ =	shalt  }
0x80: {  	_ =	shalt  }
0x81: {  	_ =	shalt  }
0x82: {  	_ =	shalt  }
0x83: {  	_ =	shalt  }
0x84: {  	_ =	shalt  }
0x85: {  	_ =	shalt  }
0x86: {  	_ =	shalt  }
0x87: {  	_ =	shalt  }
.Lfunc_end0:
.L_simem_size_0:
called_computation_lowered:
.L_overlay_start_0:
0x88: {  	s2 =	sld [smem:$0x3FD9]  }
0x89: {  	s3 =	sld [smem:$0x3FFE];
	_ =	sdelay $0x1  }
0x8a: {  	s1 =	srdreg.scid  }
0x8b: {  	s0 =	sand.u32 $0x1, s1  }
0x8c: {  	s16 =	sshll.u32 s0, $0xA;
	s2 =	sadd.s32 s3, s2  }
0x8d: {  	s2 =	sadd.s32 s2, s16  }
0x8e: {  	[smem:$0x3FC0] =	sst s2  }
0x8f: {  	_ = 	snop  }
0x90: {  	(tm) =	ssettm $0x1  }
0x91: {  	s17 =	sld [smem:$0x3FFB];
	_ =	sdelay $0x3  }
0x92: {  	_ =	strace s17  }
0x93: {  	s2 =	sld [smem:$0x3FFC];
	_ =	sdelay $0x3  }
0x94: {  	_ =	strace s2  }
0x95: {  	s2 =	sld [smem:$0x3FFD];
	_ =	sdelay $0x3  }
0x96: {  	_ =	strace s2  }
0x97: {  	_ =	strace $0x8FFFFFFF  }
0x98: {  	s18 =	sld [smem:$0x3FDB];
	_ =	sdelay $0x1  }
0x99: {  	s19 =	simm.s32 $_scs_section_size  }
0x9a: {  	s4 =	simm.s32 $_size__tile_overlayer_lowered;
	s5 =	simm.s32 $_tile_overlayer_lowered  }
0x9b: {  	s22 =	simm.s32 $0x1BFF;
	s21 =	sshll.u32 s5, $0x1;
	s2 =	sadd.s32 s19, s18  }
0x9c: {  	s6 =	simm.s32 $0x0;
	s20 =	sshll.u32 s4, $0x1;
	s4 =	sadd.s32 s21, s2  }
0x9d: {  	[timem:s6], [sflag:s22] =	dma.local [hbm:s4], s20  }
0x9e: {  	_ =	swait.ge [sflag:s22], s20  }
0x9f: {  	s3 =	ssub.s32 $0x0, s20;
	[sflag:s22] =	ssyncset.done $0x0  }
0xa0: {  	[sflag:s22] =	ssyncadd.s32 s3;
	_ =	sdelay $0x1  }
0xa1: {  	s23 =	simm.s32 $0x1B8B  }
0xa2: {  	_ =	swait.ge [sflag:s23], $0x1  }
0xa3: {  	[sflag:s23] =	ssyncset.done $0x0  }
0xa4: {  	s25 =	simm.s32 $0x1B8E;
	s24 =	sld [smem:$0x3FFE];
	[sflag:s23] =	ssyncadd.s32 $0xFFFFFFFF  }
0xa5: {  	s26 =	simm.s32 $execute0_lowered;
	[smem:$0x3FD2] =	sst s25  }
0xa6: {  	s4 =	sshll.u32 s26, $0x1;
	_ =	strace $0x80000046;
	[dreg:$0x1] =	wrdreg $0xFFFFFFFF  }
0xa7: {  	s28 =	simm.s32 $_size_execute0_lowered;
	s2 =	sadd.s32 s2, s4;
	[dreg:$0x0] =	wrdreg $0x0  }
0xa8: {  	s4 =	sshll.u32 s28, $0x1;
	[dreg:$0x2] =	wrdreg s2  }
0xa9: {  	[dreg:$0x3] =	wrdreg s4  }
0xaa: {  	[dreg:$0x4] =	wrdreg $0xC0  }
0xab: {  	_ =	task [dreg:s6], $0x5FFFF  }
0xac: {  	[dreg:$0x1] =	wrdreg $0xFFFFFFFF  }
0xad: {  	[dreg:$0x0] =	wrdreg $0x60  }
0xae: {  	[dreg:$0x2] =	wrdreg s24  }
0xaf: {  	[dreg:$0x3] =	wrdreg $0xD4D00  }
0xb0: {  	[dreg:$0x4] =	wrdreg $0x172D00  }
0xb1: {  	[dreg:$0x5] =	wrdreg $0x9  }
0xb2: {  	_ =	task.clear_ibuf [dreg:s6], $0x6FFFF;
	_ =	strace $0x90000046  }
0xb3: {  	s29 =	simm.s32 $0x9;
	_ =	strace $0x80000048  }
0xb4: {  	_ =	swait.ge [sflag:s29], $0x1  }
0xb5: {  	[sflag:s29] =	ssyncadd.s32 $0xFFFFFFFF  }
0xb6: {  	_ =	strace $0x90000048  }
0xb7: {  	_ =	sfence  }
0xb8: {  	s30 =	sld [smem:$0x0];
	_ =	sdelay $0x2  }
0xb9: {  	s31 =	sshll.u32 s1, $0xD;
	s1 =	sshrl.u32 s1, $0x2  }
0xba: {  	s3 =	sand.u32 $0x4000, s31;
	s1 =	sadd.s32 s1, s30  }
0xbb: {  	s0 =	sor.u32 s3, s0;
	s1 =	sshll.u32 s1, $0x11  }
0xbc: {  	s0 =	sor.u32 s1, s0  }
0xbd: {  	s0 =	sadd.s32 $0x8F2B, s0  }
0xbe: {  	[sflag:s0] =	ssyncadd.remote.s32 $0x1  }
0xbf: {  	_ =	sfence.sel $0xFFFF  }
0xc0: {  	[dreg:$0x0] =	wrdreg $0xFFFFFFFF;
	(pc) =	sbr.abs _section_cstart, $3  }
0xc1: {  	[dreg:$0x1] =	wrdreg $0xFFFFFFFF  }
0xc2: {  	_ =	task.clear_ibuf [dreg:s6], $0x2FFFF;
	_ =	strace $0x9FFFFFFF  }
0xc3: {  	(tm) =	ssettm $0x7FFFFFFF  }
tec
execute0_lowered:
.L_overlay_start_1:
0x0: {  	(tag) =	ssettag $0x1  }
0x1: {  	s0 =	srdreg.scid;
	s1 =	rddreg [dreg:$0x0]  }
0x2: {  	s14 =	stileid.u32;
	s2 =	rddreg [dreg:$0x1];
	s16 =	simm.s32 $0x9  }
0x3: {  	s19 =	simm.s32 $0xCD00;
	s20 =	simm.s32 $0x7D;
	s28 =	simm.s32 $0x2  }
0x4: {  	s29 =	simm.s32 $0x80;
	s31 =	simm.s32 $0xADC0;
	s6 =	smul.u32 $0x9E00, s14  }
0x5: {  	s30 =	simm.s32 $0x4;
	s0 =	sand.u32 $0x1, s0;
	s7 =	smul.u32 $0x2780, s14  }
0x6: {  	s13 =	sadd.s32 $0x41A00, s1;
	s23 =	sshll.u32 s14, $0x6;
	s8 =	smul.u32 $0x9E000, s0  }
0x7: {  	s3 =	sshll.u32 s0, $0x4;
	s12 =	smul.u32 $0x27800, s0;
	s0 =	ssub.s32 $0x2, s0  }
0x8: {  	s4 =	sor.u32 s14, s3;
	s3 =	rddreg [dreg:$0x2];
	s10 =	sshrl.u32 s6, $0x3  }
0x9: {  	s11 =	sshrl.u32 s7, $0x3;
	s22 =	sshrl.u32 s0, $0x1;
	s5 =	smul.u32 $0x2800, s4  }
0xa: {  	s4 =	simm.s32 $0x0;
	s10 =	sadd.s32 s10, s1;
	s11 =	sadd.s32 s11, s1  }
0xb: {  	s8 =	sadd.s32 s6, s8;
	s12 =	sadd.s32 s7, s12;
	s0 =	ssub.s32 s0, s22  }
0xc: {  	s6 =	sadd.s32 s6, s2;
	s7 =	sadd.s32 s7, s3;
	s22 =	simm.s32 $0x5  }
0xd: {  	[smem:$0x7FF] =	sst s4;
	s8 =	sshrl.u32 s8, $0x3;
	s12 =	sshrl.u32 s12, $0x3  }
0xe: {  	s10 =	sadd.s32 $0x28E00, s10;
	s24 =	sadd.s32 $0x3CA00, s11;
	s0 =	smax.u32 s0, $0x1  }
0xf: {  	s15 =	sshrl.u32 s6, $0x3;
	_ =	strace $0x80000047;
	[dreg:$0x4] =	wrdreg s13  }
0x10: {  	s17 =	sshrl.u32 s7, $0x3;
	s6 =	simm.s32 $0x6;
	[dreg:$0x5] =	wrdreg s10  }
0x11: {  	s7 =	simm.s32 $0x7;
	s5 =	sshrl.u32 s5, $0x3;
	[dreg:$0x6] =	wrdreg s24  }
0x12: {  	s21 =	sadd.s32 s8, s1;
	s8 =	sor.u32 $0x1C09, s23;
	[dreg:$0xb] =	wrdreg s0  }
0x13: {  	s23 =	simm.s32 $0x6F40;
	s24 =	simm.s32 $0x1;
	s0 =	simm.s32 $0x100  }
0x14: {  	s9 =	sadd.s32 s5, s1;
	s5 =	sadd.s32 $0x1400, s1;
	s26 =	sadd.s32 $0x41C00, s21  }
.Ltmp0:
0x15: {  	s25 =	sadd.s32 $0x14E00, s9;
	[dreg:$0x9] =	wrdreg s26;
	(pc) =	sbr.rel .LBB2_1-.Ltmp0, $4  }
0x16: {  	s1 =	sadd.s32 s12, s1;
	s9 =	sadd.s32 $0x1EE00, s9;
	[dreg:$0x7] =	wrdreg s25  }
0x17: {  	s10 =	simm.s32 $0x0;
	s1 =	sadd.s32 $0x69400, s1;
	[dreg:$0x8] =	wrdreg s9  }
0x18: {  	s21 =	simm.s32 $0x5000;
	s26 =	simm.s32 $0x8E80;
	[dreg:$0xa] =	wrdreg s1  }
0x19: {  	s1 =	simm.s32 $0x3;
	s25 =	simm.s32 $0x180;
	s9 =	simm.s32 $0x8  }
.LBB2_4:
0x1a: {  	_ =	swait.ge [sflag:s7], $0x1F40  }
0x1b: {  	[sflag:s7] =	ssyncset.done $0x0  }
0x1c: {  	[sflag:s7] =	ssyncadd.s32 $0xFFFFE0C0  }
0x1d: {  	_ =	swait.ge [sflag:s9], $0x1F40  }
0x1e: {  	[sflag:s9] =	ssyncset.done $0x0  }
0x1f: {  	[sflag:s9] =	ssyncadd.s32 $0xFFFFE0C0  }
0x20: {  	[bflag:$0x0] =	sbarrier.arrive $0xFFFF  }
0x21: {  	s11 =	rddreg [dreg:$0x9]  }
0x22: {  	[hbm:s11], [sflag:s8] =	dma.local [spmem:s15], $0x13C0  }
0x23: {  	_ =	swait.ge [sflag:s16], $0x13C0  }
0x24: {  	[sflag:s16] =	ssyncset.done $0x0  }
0x25: {  	s14 =	rddreg [dreg:$0xa];
	[sflag:s16] =	ssyncadd.s32 $0xFFFFEC40  }
0x26: {  	[hbm:s14], [sflag:s8] =	dma.local [spmem:s17], $0x4F0  }
0x27: {  	_ =	swait.ge [sflag:s16], $0x4F0  }
0x28: {  	s10 =	sadd.s32 $0x1, s10;
	s18 =	rddreg [dreg:$0xb]  }
0x29: {  	p0 =	sne.s32 s10, s18  }
.Ltmp1:
0x2a: {  	_ = 	snop;
	(pc) =	sbr.rel @!p0 .LBB2_5-.Ltmp1, $3  }
0x2b: {  	_ =	sdelay $0x1  }
0x2c: {  	[sflag:s16] =	ssyncset.done $0x0  }
0x2d: {  	[sflag:s16] =	ssyncadd.s32 $0xFFFFFB10  }
.LBB2_1:
0x2e: {  	s11 =	rddreg [dreg:$0x5]  }
0x2f: {  	[spmem:s15], [sflag:s8] =	dma.local [hbm:s11], $0x13C0  }
0x30: {  	_ =	swait.ge [sflag:s16], $0x13C0  }
0x31: {  	[sflag:s16] =	ssyncset.done $0x0  }
0x32: {  	s18 =	rddreg [dreg:$0x6];
	[sflag:s16] =	ssyncadd.s32 $0xFFFFEC40  }
0x33: {  	[spmem:s17], [sflag:s8] =	dma.local [hbm:s18], $0x4F0  }
0x34: {  	_ =	swait.ge [sflag:s16], $0x4F0  }
0x35: {  	[sflag:s16] =	ssyncset.done $0x0  }
0x36: {  	s12 =	rddreg [dreg:$0x7];
	[sflag:s16] =	ssyncadd.s32 $0xFFFFFB10  }
0x37: {  	[tilespmem:s4], [sflag:$0x9] =	stream.linear.gather [hbm4b:s12+s4], $0x2800, $0x38;
	[tilespmem:$0x19A50] =	vst v63  }
0x38: {  	_ =	swait.ge [sflag:s16], $0x2800  }
0x39: {  	[sflag:s16] =	ssyncset.done $0x0  }
0x3a: {  	s12 =	simm.s32 $0x2800;
	s13 =	rddreg [dreg:$0x8];
	[sflag:s16] =	ssyncadd.s32 $0xFFFFD800  }
0x3b: {  	[tilespmem:s12], [sflag:$0x9] =	stream.linear.gather [hbm4b:s13+s4], $0x2800, $0x38;
	[tilespmem:$0x19A50] =	vst v63  }
0x3c: {  	_ =	swait.ge [sflag:s16], $0x2800  }
0x3d: {  	[sflag:s16] =	ssyncset.done $0x0  }
0x3e: {  	s14 =	rddreg [dreg:$0x4];
	[sflag:s16] =	ssyncadd.s32 $0xFFFFD800  }
0x3f: {  	[tilespmem:s19], [sflag:$0x9] =	stream.linear.gather [hbm4b:s14+s4], $0x7D0, $0x38;
	[tilespmem:$0x19A50] =	vst v63  }
0x40: {  	_ =	swait.ge [sflag:s16], $0x7D0  }
0x41: {  	[sflag:s16] =	ssyncset.done $0x0  }
0x42: {  	[sflag:s16] =	ssyncadd.s32 $0xFFFFF830  }
0x43: {  	[bflag:$0x0] =	sbarrier.arrive $0xFFFF  }
0x44: {  	[tilespmem:s21], [sflag:$0x1] =	stream.indirect.gather [hbm4b:s5+s20], $0x40, s12, s20, $0xb8;
	[tilespmem:$0x19A50] =	vst v63  }
0x45: {  	s18 =	simm.s32 $0x2880  }
0x46: {  	[tilespmem:s23], [sflag:$0x2] =	stream.indirect.gather [hbm4b:s5+s20], $0x40, s18, s20, $0xb8;
	[tilespmem:$0x19A50] =	vst v63  }
0x47: {  	_ =	swait.ge [sflag:s24], $0x1F40  }
0x48: {  	[sflag:s24] =	ssyncset.done $0x0  }
0x49: {  	[sflag:s24] =	ssyncadd.s32 $0xFFFFE0C0  }
0x4a: {  	[spmem:s2] =	stream.indirect.scatter.add.f32 [tilespmem:s21], [sflag:$0x5], $0x40, s4, s20, $0xb8;
	[tilespmem:$0x19A50] =	vst v63  }
0x4b: {  	_ = 	snop  }
0x4c: {  	[spmem:s3] =	stream.indirect.scatter.add.f32 [tilespmem:s19], [sflag:$0x9], $0x10, s4, s20, $0xb8;
	[tilespmem:$0x19A50] =	vst v63  }
0x4d: {  	_ =	swait.ge [sflag:s16], $0x7D0  }
0x4e: {  	[sflag:s16] =	ssyncset.done $0x0  }
0x4f: {  	s12 =	simm.s32 $0x2900;
	[sflag:s16] =	ssyncadd.s32 $0xFFFFF830  }
0x50: {  	[tilespmem:s26], [sflag:$0x3] =	stream.indirect.gather [hbm4b:s5+s20], $0x40, s12, s20, $0xb8;
	[tilespmem:$0x19A50] =	vst v63  }
0x51: {  	_ =	swait.ge [sflag:s28], $0x1F40  }
0x52: {  	[sflag:s28] =	ssyncset.done $0x0  }
0x53: {  	[sflag:s28] =	ssyncadd.s32 $0xFFFFE0C0  }
0x54: {  	[spmem:s2] =	stream.indirect.scatter.add.f32 [tilespmem:s23], [sflag:$0x6], $0x40, s29, s20, $0xb8;
	[tilespmem:$0x19A50] =	vst v63  }
0x55: {  	_ = 	snop  }
0x56: {  	[spmem:s3] =	stream.indirect.scatter.add.f32 [tilespmem:s19], [sflag:$0x9], $0x10, s29, s20, $0xb8;
	[tilespmem:$0x19A50] =	vst v63  }
0x57: {  	_ =	swait.ge [sflag:s16], $0x7D0  }
0x58: {  	[sflag:s16] =	ssyncset.done $0x0  }
0x59: {  	s13 =	simm.s32 $0x2980;
	[sflag:s16] =	ssyncadd.s32 $0xFFFFF830  }
0x5a: {  	[tilespmem:s31], [sflag:$0x4] =	stream.indirect.gather [hbm4b:s5+s20], $0x40, s13, s20, $0xb8;
	[tilespmem:$0x19A50] =	vst v63  }
0x5b: {  	_ =	swait.ge [sflag:s1], $0x1F40  }
0x5c: {  	[sflag:s1] =	ssyncset.done $0x0  }
0x5d: {  	[sflag:s1] =	ssyncadd.s32 $0xFFFFE0C0  }
0x5e: {  	[spmem:s2] =	stream.indirect.scatter.add.f32 [tilespmem:s26], [sflag:$0x7], $0x40, s0, s20, $0xb8;
	[tilespmem:$0x19A50] =	vst v63  }
0x5f: {  	_ = 	snop  }
0x60: {  	[spmem:s3] =	stream.indirect.scatter.add.f32 [tilespmem:s19], [sflag:$0x9], $0x10, s0, s20, $0xb8;
	[tilespmem:$0x19A50] =	vst v63  }
0x61: {  	_ =	swait.ge [sflag:s16], $0x7D0  }
0x62: {  	[sflag:s16] =	ssyncset.done $0x0  }
0x63: {  	[sflag:s16] =	ssyncadd.s32 $0xFFFFF830  }
0x64: {  	_ =	swait.ge [sflag:s22], $0x1F40  }
0x65: {  	[sflag:s22] =	ssyncset.done $0x0  }
0x66: {  	s14 =	simm.s32 $0x2A00;
	[sflag:s22] =	ssyncadd.s32 $0xFFFFE0C0  }
0x67: {  	[tilespmem:s21], [sflag:$0x1] =	stream.indirect.gather [hbm4b:s5+s20], $0x40, s14, s20, $0xb8;
	[tilespmem:$0x19A50] =	vst v63  }
0x68: {  	_ =	swait.ge [sflag:s30], $0x1F40  }
0x69: {  	[sflag:s30] =	ssyncset.done $0x0  }
0x6a: {  	[sflag:s30] =	ssyncadd.s32 $0xFFFFE0C0  }
0x6b: {  	[spmem:s2] =	stream.indirect.scatter.add.f32 [tilespmem:s31], [sflag:$0x8], $0x40, s25, s20, $0xb8;
	[tilespmem:$0x19A50] =	vst v63  }
0x6c: {  	_ = 	snop  }
0x6d: {  	[spmem:s3] =	stream.indirect.scatter.add.f32 [tilespmem:s19], [sflag:$0x9], $0x10, s25, s20, $0xb8;
	[tilespmem:$0x19A50] =	vst v63  }
0x6e: {  	_ =	swait.ge [sflag:s16], $0x7D0  }
0x6f: {  	[sflag:s16] =	ssyncset.done $0x0  }
0x70: {  	[sflag:s16] =	ssyncadd.s32 $0xFFFFF830  }
0x71: {  	_ =	swait.ge [sflag:s6], $0x1F40  }
0x72: {  	[sflag:s6] =	ssyncset.done $0x0  }
0x73: {  	s11 =	simm.s32 $0x0;
	s18 =	simm.s32 $0x2A80;
	[sflag:s6] =	ssyncadd.s32 $0xFFFFE0C0  }
0x74: {  	[tilespmem:s23], [sflag:$0x2] =	stream.indirect.gather [hbm4b:s5+s20], $0x40, s18, s20, $0xb8;
	[tilespmem:$0x19A50] =	vst v63  }
.LBB2_2:
0x75: {  	_ =	swait.ge [sflag:s24], $0x1F40  }
0x76: {  	s12 =	sshra.s32 s11, $0x2;
	[sflag:s24] =	ssyncset.done $0x0  }
0x77: {  	s13 =	sadd.s32 $0x200, s12;
	[sflag:s24] =	ssyncadd.s32 $0xFFFFE0C0  }
0x78: {  	[spmem:s2] =	stream.indirect.scatter.add.f32 [tilespmem:s21], [sflag:$0x5], $0x40, s13, s20, $0xb8;
	[tilespmem:$0x19A50] =	vst v63  }
0x79: {  	_ = 	snop  }
0x7a: {  	[spmem:s3] =	stream.indirect.scatter.add.f32 [tilespmem:s19], [sflag:$0x9], $0x10, s13, s20, $0xb8;
	[tilespmem:$0x19A50] =	vst v63  }
0x7b: {  	_ =	swait.ge [sflag:s16], $0x7D0  }
0x7c: {  	[sflag:s16] =	ssyncset.done $0x0  }
0x7d: {  	[sflag:s16] =	ssyncadd.s32 $0xFFFFF830  }
0x7e: {  	_ =	swait.ge [sflag:s7], $0x1F40  }
0x7f: {  	[sflag:s7] =	ssyncset.done $0x0  }
0x80: {  	s18 =	sadd.s32 $0x2B00, s12;
	[sflag:s7] =	ssyncadd.s32 $0xFFFFE0C0  }
0x81: {  	[tilespmem:s26], [sflag:$0x3] =	stream.indirect.gather [hbm4b:s5+s20], $0x40, s18, s20, $0xb8;
	[tilespmem:$0x19A50] =	vst v63  }
0x82: {  	_ =	swait.ge [sflag:s28], $0x1F40  }
0x83: {  	[sflag:s28] =	ssyncset.done $0x0  }
0x84: {  	s14 =	sadd.s32 $0x280, s12;
	[sflag:s28] =	ssyncadd.s32 $0xFFFFE0C0  }
0x85: {  	[spmem:s2] =	stream.indirect.scatter.add.f32 [tilespmem:s23], [sflag:$0x6], $0x40, s14, s20, $0xb8;
	[tilespmem:$0x19A50] =	vst v63  }
0x86: {  	_ = 	snop  }
0x87: {  	[spmem:s3] =	stream.indirect.scatter.add.f32 [tilespmem:s19], [sflag:$0x9], $0x10, s14, s20, $0xb8;
	[tilespmem:$0x19A50] =	vst v63  }
0x88: {  	_ =	swait.ge [sflag:s16], $0x7D0  }
0x89: {  	[sflag:s16] =	ssyncset.done $0x0  }
0x8a: {  	[sflag:s16] =	ssyncadd.s32 $0xFFFFF830  }
0x8b: {  	_ =	swait.ge [sflag:s9], $0x1F40  }
0x8c: {  	[sflag:s9] =	ssyncset.done $0x0  }
0x8d: {  	s18 =	sadd.s32 $0x2B80, s12;
	[sflag:s9] =	ssyncadd.s32 $0xFFFFE0C0  }
0x8e: {  	[tilespmem:s31], [sflag:$0x4] =	stream.indirect.gather [hbm4b:s5+s20], $0x40, s18, s20, $0xb8;
	[tilespmem:$0x19A50] =	vst v63  }
0x8f: {  	_ =	swait.ge [sflag:s1], $0x1F40  }
0x90: {  	[sflag:s1] =	ssyncset.done $0x0  }
0x91: {  	s14 =	sadd.s32 $0x300, s12;
	[sflag:s1] =	ssyncadd.s32 $0xFFFFE0C0  }
0x92: {  	[spmem:s2] =	stream.indirect.scatter.add.f32 [tilespmem:s26], [sflag:$0x7], $0x40, s14, s20, $0xb8;
	[tilespmem:$0x19A50] =	vst v63  }
0x93: {  	_ = 	snop  }
0x94: {  	[spmem:s3] =	stream.indirect.scatter.add.f32 [tilespmem:s19], [sflag:$0x9], $0x10, s14, s20, $0xb8;
	[tilespmem:$0x19A50] =	vst v63  }
0x95: {  	_ =	swait.ge [sflag:s16], $0x7D0  }
0x96: {  	[sflag:s16] =	ssyncset.done $0x0  }
0x97: {  	p0 =	seq.s32 s11, $0x9000;
	[sflag:s16] =	ssyncadd.s32 $0xFFFFF830  }
0x98: {  	s13 =	sshra.s32 @!p0 s11, $0x2;
	_ =	swait.ge [sflag:s22], $0x1F40  }
0x99: {  	s13 =	sadd.s32 @!p0 $0x2C00, s13;
	[sflag:s22] =	ssyncset.done $0x0  }
0x9a: {  	s18 =	simm.s32 @!p0 $0x5000;
	s14 =	simm.s32 @!p0 $0x7D;
	[sflag:s22] =	ssyncadd.s32 $0xFFFFE0C0  }
0x9b: {  	[tilespmem:s18], [sflag:$0x1] =	stream.indirect.gather @!p0 [hbm4b:s5+s14], $0x40, s13, s14, $0xb8;
	[tilespmem:$0x19A50] =	vst v63  }
0x9c: {  	_ =	swait.ge [sflag:s30], $0x1F40  }
0x9d: {  	[sflag:s30] =	ssyncset.done $0x0  }
0x9e: {  	s18 =	sadd.s32 $0x380, s12;
	[sflag:s30] =	ssyncadd.s32 $0xFFFFE0C0  }
0x9f: {  	[spmem:s2] =	stream.indirect.scatter.add.f32 [tilespmem:s31], [sflag:$0x8], $0x40, s18, s20, $0xb8;
	[tilespmem:$0x19A50] =	vst v63  }
0xa0: {  	_ = 	snop  }
0xa1: {  	[spmem:s3] =	stream.indirect.scatter.add.f32 [tilespmem:s19], [sflag:$0x9], $0x10, s18, s20, $0xb8;
	[tilespmem:$0x19A50] =	vst v63  }
0xa2: {  	_ =	swait.ge [sflag:s16], $0x7D0  }
.Ltmp2:
0xa3: {  	[sflag:s16] =	ssyncset.done $0x0;
	(pc) =	sbr.rel @p0 .LBB2_4-.Ltmp2, $4  }
0xa4: {  	[sflag:s16] =	ssyncadd.s32 $0xFFFFF830  }
0xa5: {  	_ =	swait.ge [sflag:s6], $0x1F40  }
0xa6: {  	[sflag:s6] =	ssyncset.done $0x0  }
0xa7: {  	[sflag:s6] =	ssyncadd.s32 $0xFFFFE0C0  }
.Ltmp3:
0xa8: {  	(pc) =	sbr.rel .LBB2_2-.Ltmp3, $3  }
0xa9: {  	_ =	sdelay $0x1  }
0xaa: {  	s12 =	sadd.s32 $0x2C80, s12;
	s11 =	sadd.s32 $0x800, s11  }
0xab: {  	[tilespmem:s23], [sflag:$0x2] =	stream.indirect.gather [hbm4b:s5+s20], $0x40, s12, s20, $0xb8;
	[tilespmem:$0x19A50] =	vst v63  }
.LBB2_5:
0xac: {  	_ =	sfence.sel $0x180000  }
0xad: {  	[bflag:$0x0] =	sbarrier.arrive $0xFFFF  }
0xae: {  	_ =	strace $0x90000047  }
0xaf: {  	s0 =	stileid.u32;
	[bflag:$0x2] =	sbarrier.arrive $0xFFFF  }
0xb0: {  	p0 =	sne.s32 s0, $0x0;
	s0 =	rddreg [dreg:$0x3]  }
0xb1: {  	s0 =	sadd.s32 @!p0 $0x100000, s0  }
0xb2: {  	[sflag:s0] =	ssyncadd.tile.s32 @!p0 $0x1;
	_ =	shalt  }
.Lfunc_end2:
_tile_overlayer_lowered:
.L_overlay_start_2:
0xb3: {  	(tag) =	ssettag $0x2  }
0xb4: {  	s0 =	rddreg [dreg:$0x0];
	s2 =	stileid.u32  }
0xb5: {  	s1 =	rddreg [dreg:$0x1];
	p0 =	sne.s32 s2, $0x0  }
0xb6: {  	s3 =	rddreg [dreg:$0x2];
	[bflag:$0x3] =	sbarrier.arrive $0xFFFF;
	s2 =	simm.s32 @!p0 $0x1C09  }
0xb7: {  	[timem:s3], [sflag:s2] =	dma.local @!p0 [hbm:s0], s1  }
0xb8: {  	s0 =	simm.s32 @!p0 $0x9  }
0xb9: {  	_ =	swait.ge @!p0 [sflag:s0], s1  }
0xba: {  	s1 =	ssub.s32 @!p0 $0x0, s1;
	[sflag:s0] =	ssyncset.done @!p0 $0x0  }
0xbb: {  	[sflag:s0] =	ssyncadd.s32 @!p0 s1  }
0xbc: {  	[bflag:$0x3] =	sbarrier.arrive $0xFFFF  }
0xbd: {  	_ =	shalt  }

</sc_bundles>
